<compile_context>
chip_gen: v7x
topology: tpu7x:2x2x1
jax: 0.10.2.dev20260603
libtpu: 0.0.44.dev20260713+nightly
codegen_flags: <defaults>
</compile_context>

<pallas_src>
import functools

import jax
import jax.numpy as jnp
from jax import lax
from jax.experimental import pallas as pl
from jax.experimental.pallas import tpu as pltpu
from jax.experimental.pallas import tpu_sc as plsc

_HIDDEN = 128
_VOCAB = 100000

_NC, _NS, _L = 2, 16, 16
_NW = _NC * _NS

_DG_BASE = 4000
_MD_BASE = 84000
_WH_BASE = 116000
_COMB32 = _VOCAB * 4

_WH_G1_N = 12
_WH_G1_PER = 8880
_WH_G1_SIZES = (1800, 1800, 1800, 1800, 1680)
_WH_G2_PER = 8872
_WH_G2_BASE = _WH_BASE + _WH_G1_N * _WH_G1_PER
_WH_G2_SIZES = (1800, 1800, 1800, 1800, 1672)

_DIAG_WORKERS = 25
_DIAG_PER_W = 3200
_DIAG_CHUNK = 1600
_MED_PER_W = 32000 // _NW

_mesh = plsc.VectorSubcoreMesh(core_axis_name="c", subcore_axis_name="s")
_params = pltpu.CompilerParams(use_tc_tiling_on_sc=False)


@functools.partial(
    pl.kernel,
    out_type=jax.ShapeDtypeStruct((_COMB32, 32), jnp.float32),
    mesh=_mesh,
    compiler_params=_params,
    scratch_types=[
        [pltpu.VMEM((_DIAG_CHUNK,), jnp.int32) for _ in range(2)],
        [pltpu.VMEM((1800, 32), jnp.float32) for _ in range(2)],
        pltpu.SemaphoreType.DMA,
        pltpu.SemaphoreType.DMA,
        pltpu.SemaphoreType.DMA,
    ],
)
def _build_combined(word32, diag_idx, med_idx, diag_tok, med_tok,
                    comb, idx_vs, row_vs, sem_r, sem_g, sem_w):
    wid = lax.axis_index("s") * _NC + lax.axis_index("c")

    def word_ring(base, sizes):
        offs = [0]
        for s in sizes:
            offs.append(offs[-1] + s)

        def rd(k, b):
            pltpu.async_copy(
                word32.at[pl.ds(base + offs[k], sizes[k])],
                row_vs[b].at[pl.ds(0, sizes[k])], sem_r)

        rd(0, 0)
        if len(sizes) > 1:
            rd(1, 1)
        for k in range(len(sizes)):
            b = k % 2
            pltpu.make_async_copy(
                word32.at[pl.ds(base + offs[k], sizes[k])],
                row_vs[b].at[pl.ds(0, sizes[k])], sem_r).wait()
            pltpu.async_copy(
                row_vs[b].at[pl.ds(0, sizes[k])],
                comb.at[pl.ds(base + offs[k], sizes[k])], sem_w)
            pltpu.make_async_copy(
                row_vs[b].at[pl.ds(0, sizes[k])],
                comb.at[pl.ds(base + offs[k], sizes[k])], sem_w).wait()
            if k + 2 < len(sizes):
                rd(k + 2, b)

    @pl.when(wid < _WH_G1_N)
    def _():
        word_ring(_WH_BASE + wid * _WH_G1_PER, _WH_G1_SIZES)

    @pl.when(wid >= _WH_G1_N)
    def _():
        word_ring(_WH_G2_BASE + (wid - _WH_G1_N) * _WH_G2_PER, _WH_G2_SIZES)

    @pl.when((wid >= 28) & (wid < 32))
    def _():
        word_ring((wid - 28) * 1000, (1000,))

    @pl.when(wid < _DIAG_WORKERS)
    def _():
        base = wid * _DIAG_PER_W
        for k in range(2):
            pltpu.sync_copy(
                diag_idx.at[pl.ds(base + k * _DIAG_CHUNK, _DIAG_CHUNK)],
                idx_vs[k])
        gs = [pltpu.async_copy(diag_tok.at[idx_vs[k]],
                               row_vs[k].at[pl.ds(0, _DIAG_CHUNK)], sem_g)
              for k in range(2)]
        for k in range(2):
            gs[k].wait()
            pltpu.sync_copy(
                row_vs[k].at[pl.ds(0, _DIAG_CHUNK)],
                comb.at[pl.ds(_DG_BASE + base + k * _DIAG_CHUNK,
                              _DIAG_CHUNK)])

    med_base = wid * _MED_PER_W
    pltpu.sync_copy(med_idx.at[pl.ds(med_base, _MED_PER_W)],
                    idx_vs[0].at[pl.ds(0, _MED_PER_W)])
    pltpu.async_copy(med_tok.at[idx_vs[0].at[pl.ds(0, _MED_PER_W)]],
                     row_vs[0].at[pl.ds(0, _MED_PER_W)], sem_g).wait()
    pltpu.sync_copy(row_vs[0].at[pl.ds(0, _MED_PER_W)],
                    comb.at[pl.ds(_MD_BASE + med_base, _MED_PER_W)])


def _make_lookup(n_tokens):
    per_w = n_tokens // _NW
    chunk = 256
    sub = 128
    nsub = chunk // sub
    nbuf = 2
    n_chunks = per_w // chunk
    assert n_chunks % nbuf == 0
    idx_load = 6400
    n_idx_loads = per_w // idx_load

    @functools.partial(
        pl.kernel,
        out_type=jax.ShapeDtypeStruct((n_tokens, _HIDDEN), jnp.float32),
        mesh=_mesh,
        compiler_params=_params,
        scratch_types=[
            pltpu.VMEM((per_w,), jnp.int32),
            [pltpu.VMEM((chunk, _HIDDEN), jnp.float32) for _ in range(nbuf)],
            pltpu.SemaphoreType.DMA,
            pltpu.SemaphoreType.DMA,
            pltpu.SemaphoreType.DMA,
        ],
    )
    def _lookup(ids, comb, out, idx_all, rows_vs, sem_i, sem_g, sem_w):
        wid = lax.axis_index("s") * _NC + lax.axis_index("c")
        w_base = wid * per_w

        loads = [
            pltpu.async_copy(
                ids.at[pl.ds(w_base + t * idx_load, idx_load)],
                idx_all.at[pl.ds(t * idx_load, idx_load)], sem_i)
            for t in range(n_idx_loads)
        ]
        for c in loads:
            c.wait()

        def fire_gather(i, b):
            for k in range(nsub):
                pltpu.async_copy(
                    comb.at[idx_all.at[pl.ds(i * chunk + k * sub, sub)]],
                    rows_vs[b].at[pl.ds(k * sub, sub)], sem_g)

        def drain_gather(i, b):
            for k in range(nsub):
                pltpu.make_async_copy(
                    comb.at[idx_all.at[pl.ds(i * chunk + k * sub, sub)]],
                    rows_vs[b].at[pl.ds(k * sub, sub)], sem_g).wait()

        def fire_write(i, b):
            pltpu.async_copy(rows_vs[b],
                             out.at[pl.ds(w_base + i * chunk, chunk)], sem_w)

        def drain_write(i, b):
            pltpu.make_async_copy(
                rows_vs[b],
                out.at[pl.ds(w_base + i * chunk, chunk)], sem_w).wait()

        for b in range(nbuf):
            fire_gather(b, b)

        def body(jj, _):
            for b in range(nbuf):
                i = jj * nbuf + b
                drain_gather(i, b)
                fire_write(i, b)
                drain_write(i, b)
                fire_gather(i + nbuf, b)
            return 0

        lax.fori_loop(0, n_chunks // nbuf - 1, body, 0)

        for b in range(nbuf):
            i = n_chunks - nbuf + b
            drain_gather(i, b)
            fire_write(i, b)
            drain_write(i, b)

    return _lookup


def kernel(input_ids, token_types, diag_tree_table, med_tree_table,
           word_emb, diag_tok, med_tok):
    del token_types
    b, n = input_ids.shape
    ids = input_ids.reshape(-1)
    comb32 = _build_combined(
        word_emb.reshape(_COMB32, 32),
        diag_tree_table.reshape(-1),
        med_tree_table.reshape(-1),
        diag_tok, med_tok)
    comb = comb32.reshape(_VOCAB, _HIDDEN)
    out = _make_lookup(b * n)(ids, comb)
    return out.reshape(b, n, _HIDDEN)

# --- scband reference (transcript-rebuilt; emitter-appended) ---
"""Pipeline reference for scband-tree-embeddings-8074538516998 (READ-ONLY COPY).

The authoritative reference and input builder live on the scoring server;
editing this copy changes nothing except your own understanding.
"""

import jax, jax.numpy as jnp
import numpy as np

HIDDEN = 128
VOCAB = 100000
N_DIAG_TOKENS = 30000
N_MED_TOKENS = 10000
DIAG_DEPTH = 4
MED_DEPTH = 4
N_DIAG_CODES = 20000
N_MED_CODES = 8000
DIAG_RANGE = (1000, 21000)
MED_RANGE = (21000, 29000)
B, N = 4096, 200


def setup_inputs(seed: int = 0) -> dict:
    key = jax.random.key(seed)
    ks = jax.random.split(key, 8)
    input_ids = jax.random.randint(ks[0], (B, N), 0, VOCAB, dtype=jnp.int32)
    token_types = jax.random.randint(ks[1], (B, N), 0, 2, dtype=jnp.int32)
    diag_tree_table = jax.random.randint(ks[2], (N_DIAG_CODES, DIAG_DEPTH), 0, N_DIAG_TOKENS, dtype=jnp.int32)
    med_tree_table = jax.random.randint(ks[3], (N_MED_CODES, MED_DEPTH), 0, N_MED_TOKENS, dtype=jnp.int32)
    word_emb = jax.random.normal(ks[4], (VOCAB, HIDDEN), dtype=jnp.float32) * 0.02
    word_emb = word_emb.at[0].set(0.0)  # padding_idx=0
    diag_tok = jax.random.normal(ks[5], (N_DIAG_TOKENS, HIDDEN // DIAG_DEPTH), dtype=jnp.float32) * 0.02
    med_tok = jax.random.normal(ks[6], (N_MED_TOKENS, HIDDEN // MED_DEPTH), dtype=jnp.float32) * 0.02
    return {
        "input_ids": input_ids,
        "token_types": token_types,
        "diag_tree_table": diag_tree_table,
        "med_tree_table": med_tree_table,
        "word_emb": word_emb,
        "diag_tok": diag_tok,
        "med_tok": med_tok,
    }


def reference(input_ids, token_types, diag_tree_table, med_tree_table, word_emb, diag_tok, med_tok):
    Bn, Nn = input_ids.shape
    # hierarchical (tree) embeddings: gather depth sub-tokens then concat to HIDDEN
    diag_tree_tokens = jnp.take(diag_tok, diag_tree_table, axis=0).reshape(-1, HIDDEN)
    med_tree_tokens = jnp.take(med_tok, med_tree_table, axis=0).reshape(-1, HIDDEN)
    ids = input_ids.reshape(-1)
    diag_mask = (ids >= DIAG_RANGE[0]) & (ids < DIAG_RANGE[1])
    med_mask = (ids >= MED_RANGE[0]) & (ids < MED_RANGE[1])
    words = jnp.take(word_emb, ids, axis=0)
    diag_idx = jnp.clip(ids - DIAG_RANGE[0], 0, N_DIAG_CODES - 1)
    med_idx = jnp.clip(ids - MED_RANGE[0], 0, N_MED_CODES - 1)
    words = jnp.where(diag_mask[:, None], jnp.take(diag_tree_tokens, diag_idx, axis=0), words)
    words = jnp.where(med_mask[:, None], jnp.take(med_tree_tokens, med_idx, axis=0), words)
    words = words.reshape(Bn, Nn, HIDDEN)
    # dropout in eval mode == identity
    return words

if __name__ == "__main__":
    import jax
    _d = setup_inputs()
    print(jax.jit(kernel)(*tuple(_d.values())))

</pallas_src>

<mosaic_0001>
#map = affine_map<(d0, d1) -> (0)>
#map1 = affine_map<(d0, d1) -> (0, 0)>
module attributes {stable_mosaic.version = 14 : i64} {
  func.func @_lookup(%arg0: i32, %arg1: i32, %arg2: memref<819200xi32, #tpu.memory_space<hbm>>, %arg3: memref<100000x128xf32, #tpu.memory_space<hbm>>, %arg4: memref<819200x128xf32, #tpu.memory_space<hbm>>, %arg5: memref<25600xi32, #tpu.memory_space<vmem>>, %arg6: memref<256x128xf32, #tpu.memory_space<vmem>>, %arg7: memref<256x128xf32, #tpu.memory_space<vmem>>, %arg8: memref<!tpu.dma_semaphore, #tpu.memory_space<semaphore_mem>>, %arg9: memref<!tpu.dma_semaphore, #tpu.memory_space<semaphore_mem>>, %arg10: memref<!tpu.dma_semaphore, #tpu.memory_space<semaphore_mem>>) attributes {dimension_semantics = [#tpu.dimension_semantics<core_parallel>, #tpu.dimension_semantics<subcore_parallel>], iteration_bounds = array<i64: 2, 16>, scalar_prefetch = 0 : i64, scratch_operands = 6 : i64, tpu.core_type = #tpu.core_type<sc_vector_subcore>, window_params = [{transform_indices = #map}, {transform_indices = #map1}, {transform_indices = #map1}]} {
    %mul3A = arith.constant 2 : i32
    %mul3A_0 = arith.muli %arg1, %mul3A : i32
    %add3A = arith.addi %mul3A_0, %arg0 : i32
    %mul3A_1 = arith.constant 25600 : i32
    %mul3A_2 = arith.muli %add3A, %mul3A_1 : i32
    %add3A_3 = arith.constant 0 : i32
    %add3A_4 = arith.addi %mul3A_2, %add3A_3 : i32
    %dma_start3A = arith.constant 0 : i32
    %dma_start3A_5 = tpu.memref_slice %arg5[%dma_start3A] : memref<25600xi32, #tpu.memory_space<vmem>> -> memref<6400xi32, #tpu.memory_space<vmem>>
    %dma_start3A_6 = tpu.memref_slice %arg2[%add3A_4] : memref<819200xi32, #tpu.memory_space<hbm>> -> memref<6400xi32, #tpu.memory_space<hbm>>
    %dma_start3A_7 = arith.constant 0 : i32
    %dma_start3A_8 = tpu.memref_slice %arg5[%dma_start3A_7] : memref<25600xi32, #tpu.memory_space<vmem>> -> memref<6400xi32, #tpu.memory_space<vmem>>
    %dma_start3A_9 = tpu.memref_slice %arg2[%add3A_4] : memref<819200xi32, #tpu.memory_space<hbm>> -> memref<6400xi32, #tpu.memory_space<hbm>>
    tpu.enqueue_dma source(%dma_start3A_9 : memref<6400xi32, #tpu.memory_space<hbm>>) target(%dma_start3A_8 : memref<6400xi32, #tpu.memory_space<vmem>>) target_semaphore(%arg8 : memref<!tpu.dma_semaphore, #tpu.memory_space<semaphore_mem>>)
    %add3A_10 = arith.constant 6400 : i32
    %add3A_11 = arith.addi %mul3A_2, %add3A_10 : i32
    %dma_start3A_12 = arith.constant 6400 : i32
    %dma_start3A_13 = tpu.memref_slice %arg5[%dma_start3A_12] : memref<25600xi32, #tpu.memory_space<vmem>> -> memref<6400xi32, #tpu.memory_space<vmem>>
    %dma_start3A_14 = tpu.memref_slice %arg2[%add3A_11] : memref<819200xi32, #tpu.memory_space<hbm>> -> memref<6400xi32, #tpu.memory_space<hbm>>
    %dma_start3A_15 = arith.constant 6400 : i32
    %dma_start3A_16 = tpu.memref_slice %arg5[%dma_start3A_15] : memref<25600xi32, #tpu.memory_space<vmem>> -> memref<6400xi32, #tpu.memory_space<vmem>>
    %dma_start3A_17 = tpu.memref_slice %arg2[%add3A_11] : memref<819200xi32, #tpu.memory_space<hbm>> -> memref<6400xi32, #tpu.memory_space<hbm>>
    tpu.enqueue_dma source(%dma_start3A_17 : memref<6400xi32, #tpu.memory_space<hbm>>) target(%dma_start3A_16 : memref<6400xi32, #tpu.memory_space<vmem>>) target_semaphore(%arg8 : memref<!tpu.dma_semaphore, #tpu.memory_space<semaphore_mem>>)
    %add3A_18 = arith.constant 12800 : i32
    %add3A_19 = arith.addi %mul3A_2, %add3A_18 : i32
    %dma_start3A_20 = arith.constant 12800 : i32
    %dma_start3A_21 = tpu.memref_slice %arg5[%dma_start3A_20] : memref<25600xi32, #tpu.memory_space<vmem>> -> memref<6400xi32, #tpu.memory_space<vmem>>
    %dma_start3A_22 = tpu.memref_slice %arg2[%add3A_19] : memref<819200xi32, #tpu.memory_space<hbm>> -> memref<6400xi32, #tpu.memory_space<hbm>>
    %dma_start3A_23 = arith.constant 12800 : i32
    %dma_start3A_24 = tpu.memref_slice %arg5[%dma_start3A_23] : memref<25600xi32, #tpu.memory_space<vmem>> -> memref<6400xi32, #tpu.memory_space<vmem>>
    %dma_start3A_25 = tpu.memref_slice %arg2[%add3A_19] : memref<819200xi32, #tpu.memory_space<hbm>> -> memref<6400xi32, #tpu.memory_space<hbm>>
    tpu.enqueue_dma source(%dma_start3A_25 : memref<6400xi32, #tpu.memory_space<hbm>>) target(%dma_start3A_24 : memref<6400xi32, #tpu.memory_space<vmem>>) target_semaphore(%arg8 : memref<!tpu.dma_semaphore, #tpu.memory_space<semaphore_mem>>)
    %add3A_26 = arith.constant 19200 : i32
    %add3A_27 = arith.addi %mul3A_2, %add3A_26 : i32
    %dma_start3A_28 = arith.constant 19200 : i32
    %dma_start3A_29 = tpu.memref_slice %arg5[%dma_start3A_28] : memref<25600xi32, #tpu.memory_space<vmem>> -> memref<6400xi32, #tpu.memory_space<vmem>>
    %dma_start3A_30 = tpu.memref_slice %arg2[%add3A_27] : memref<819200xi32, #tpu.memory_space<hbm>> -> memref<6400xi32, #tpu.memory_space<hbm>>
    %dma_start3A_31 = arith.constant 19200 : i32
    %dma_start3A_32 = tpu.memref_slice %arg5[%dma_start3A_31] : memref<25600xi32, #tpu.memory_space<vmem>> -> memref<6400xi32, #tpu.memory_space<vmem>>
    %dma_start3A_33 = tpu.memref_slice %arg2[%add3A_27] : memref<819200xi32, #tpu.memory_space<hbm>> -> memref<6400xi32, #tpu.memory_space<hbm>>
    tpu.enqueue_dma source(%dma_start3A_33 : memref<6400xi32, #tpu.memory_space<hbm>>) target(%dma_start3A_32 : memref<6400xi32, #tpu.memory_space<vmem>>) target_semaphore(%arg8 : memref<!tpu.dma_semaphore, #tpu.memory_space<semaphore_mem>>)
    %dma_wait3A = arith.constant 0 : i32
    %dma_wait3A_34 = tpu.memref_slice %arg5[%dma_wait3A] : memref<25600xi32, #tpu.memory_space<vmem>> -> memref<6400xi32, #tpu.memory_space<vmem>>
    %dma_wait3A_35 = tpu.memref_slice %arg2[%add3A_4] : memref<819200xi32, #tpu.memory_space<hbm>> -> memref<6400xi32, #tpu.memory_space<hbm>>
    %dma_wait3A_36 = arith.constant 0 : i32
    %dma_wait3A_37 = tpu.memref_slice %arg5[%dma_wait3A_36] : memref<25600xi32, #tpu.memory_space<vmem>> -> memref<6400xi32, #tpu.memory_space<vmem>>
    %dma_wait3A_38 = tpu.memref_slice %arg2[%add3A_4] : memref<819200xi32, #tpu.memory_space<hbm>> -> memref<6400xi32, #tpu.memory_space<hbm>>
    tpu.wait_dma2 semaphore(%arg8 : memref<!tpu.dma_semaphore, #tpu.memory_space<semaphore_mem>>) src(%dma_wait3A_38 : memref<6400xi32, #tpu.memory_space<hbm>>) dst(%dma_wait3A_37 : memref<6400xi32, #tpu.memory_space<vmem>>)
    %dma_wait3A_39 = arith.constant 6400 : i32
    %dma_wait3A_40 = tpu.memref_slice %arg5[%dma_wait3A_39] : memref<25600xi32, #tpu.memory_space<vmem>> -> memref<6400xi32, #tpu.memory_space<vmem>>
    %dma_wait3A_41 = tpu.memref_slice %arg2[%add3A_11] : memref<819200xi32, #tpu.memory_space<hbm>> -> memref<6400xi32, #tpu.memory_space<hbm>>
    %dma_wait3A_42 = arith.constant 6400 : i32
    %dma_wait3A_43 = tpu.memref_slice %arg5[%dma_wait3A_42] : memref<25600xi32, #tpu.memory_space<vmem>> -> memref<6400xi32, #tpu.memory_space<vmem>>
    %dma_wait3A_44 = tpu.memref_slice %arg2[%add3A_11] : memref<819200xi32, #tpu.memory_space<hbm>> -> memref<6400xi32, #tpu.memory_space<hbm>>
    tpu.wait_dma2 semaphore(%arg8 : memref<!tpu.dma_semaphore, #tpu.memory_space<semaphore_mem>>) src(%dma_wait3A_44 : memref<6400xi32, #tpu.memory_space<hbm>>) dst(%dma_wait3A_43 : memref<6400xi32, #tpu.memory_space<vmem>>)
    %dma_wait3A_45 = arith.constant 12800 : i32
    %dma_wait3A_46 = tpu.memref_slice %arg5[%dma_wait3A_45] : memref<25600xi32, #tpu.memory_space<vmem>> -> memref<6400xi32, #tpu.memory_space<vmem>>
    %dma_wait3A_47 = tpu.memref_slice %arg2[%add3A_19] : memref<819200xi32, #tpu.memory_space<hbm>> -> memref<6400xi32, #tpu.memory_space<hbm>>
    %dma_wait3A_48 = arith.constant 12800 : i32
    %dma_wait3A_49 = tpu.memref_slice %arg5[%dma_wait3A_48] : memref<25600xi32, #tpu.memory_space<vmem>> -> memref<6400xi32, #tpu.memory_space<vmem>>
    %dma_wait3A_50 = tpu.memref_slice %arg2[%add3A_19] : memref<819200xi32, #tpu.memory_space<hbm>> -> memref<6400xi32, #tpu.memory_space<hbm>>
    tpu.wait_dma2 semaphore(%arg8 : memref<!tpu.dma_semaphore, #tpu.memory_space<semaphore_mem>>) src(%dma_wait3A_50 : memref<6400xi32, #tpu.memory_space<hbm>>) dst(%dma_wait3A_49 : memref<6400xi32, #tpu.memory_space<vmem>>)
    %dma_wait3A_51 = arith.constant 19200 : i32
    %dma_wait3A_52 = tpu.memref_slice %arg5[%dma_wait3A_51] : memref<25600xi32, #tpu.memory_space<vmem>> -> memref<6400xi32, #tpu.memory_space<vmem>>
    %dma_wait3A_53 = tpu.memref_slice %arg2[%add3A_27] : memref<819200xi32, #tpu.memory_space<hbm>> -> memref<6400xi32, #tpu.memory_space<hbm>>
    %dma_wait3A_54 = arith.constant 19200 : i32
    %dma_wait3A_55 = tpu.memref_slice %arg5[%dma_wait3A_54] : memref<25600xi32, #tpu.memory_space<vmem>> -> memref<6400xi32, #tpu.memory_space<vmem>>
    %dma_wait3A_56 = tpu.memref_slice %arg2[%add3A_27] : memref<819200xi32, #tpu.memory_space<hbm>> -> memref<6400xi32, #tpu.memory_space<hbm>>
    tpu.wait_dma2 semaphore(%arg8 : memref<!tpu.dma_semaphore, #tpu.memory_space<semaphore_mem>>) src(%dma_wait3A_56 : memref<6400xi32, #tpu.memory_space<hbm>>) dst(%dma_wait3A_55 : memref<6400xi32, #tpu.memory_space<vmem>>)
    %dma_start3A_57 = arith.constant 0 : i32
    %dma_start3A_58 = arith.constant 0 : i32
    %dma_start3A_59 = tpu.memref_slice %arg6[%dma_start3A_57, %dma_start3A_58] : memref<256x128xf32, #tpu.memory_space<vmem>> -> memref<128x128xf32, #tpu.memory_space<vmem>>
    %dma_start3A_60 = arith.constant 0 : i32
    %dma_start3A_61 = tpu.memref_slice %arg5[%dma_start3A_60] : memref<25600xi32, #tpu.memory_space<vmem>> -> memref<128xi32, #tpu.memory_space<vmem>>
    %dma_start3A_62 = arith.constant 0 : i32
    %dma_start3A_63 = arith.constant 0 : i32
    %dma_start3A_64 = tpu.memref_slice %arg3[%dma_start3A_62, %dma_start3A_63] : memref<100000x128xf32, #tpu.memory_space<hbm>> -> memref<100000x128xf32, #tpu.memory_space<hbm>>
    tpu.enqueue_indirect_dma source(%dma_start3A_64 : memref<100000x128xf32, #tpu.memory_space<hbm>>) target(%dma_start3A_59 : memref<128x128xf32, #tpu.memory_space<vmem>>) offsets(%dma_start3A_61 : memref<128xi32, #tpu.memory_space<vmem>>) semaphore(%arg9 : memref<!tpu.dma_semaphore, #tpu.memory_space<semaphore_mem>>)
    %dma_start3A_65 = arith.constant 128 : i32
    %dma_start3A_66 = arith.constant 0 : i32
    %dma_start3A_67 = tpu.memref_slice %arg6[%dma_start3A_65, %dma_start3A_66] : memref<256x128xf32, #tpu.memory_space<vmem>> -> memref<128x128xf32, #tpu.memory_space<vmem>>
    %dma_start3A_68 = arith.constant 128 : i32
    %dma_start3A_69 = tpu.memref_slice %arg5[%dma_start3A_68] : memref<25600xi32, #tpu.memory_space<vmem>> -> memref<128xi32, #tpu.memory_space<vmem>>
    %dma_start3A_70 = arith.constant 0 : i32
    %dma_start3A_71 = arith.constant 0 : i32
    %dma_start3A_72 = tpu.memref_slice %arg3[%dma_start3A_70, %dma_start3A_71] : memref<100000x128xf32, #tpu.memory_space<hbm>> -> memref<100000x128xf32, #tpu.memory_space<hbm>>
    tpu.enqueue_indirect_dma source(%dma_start3A_72 : memref<100000x128xf32, #tpu.memory_space<hbm>>) target(%dma_start3A_67 : memref<128x128xf32, #tpu.memory_space<vmem>>) offsets(%dma_start3A_69 : memref<128xi32, #tpu.memory_space<vmem>>) semaphore(%arg9 : memref<!tpu.dma_semaphore, #tpu.memory_space<semaphore_mem>>)
    %dma_start3A_73 = arith.constant 0 : i32
    %dma_start3A_74 = arith.constant 0 : i32
    %dma_start3A_75 = tpu.memref_slice %arg7[%dma_start3A_73, %dma_start3A_74] : memref<256x128xf32, #tpu.memory_space<vmem>> -> memref<128x128xf32, #tpu.memory_space<vmem>>
    %dma_start3A_76 = arith.constant 256 : i32
    %dma_start3A_77 = tpu.memref_slice %arg5[%dma_start3A_76] : memref<25600xi32, #tpu.memory_space<vmem>> -> memref<128xi32, #tpu.memory_space<vmem>>
    %dma_start3A_78 = arith.constant 0 : i32
    %dma_start3A_79 = arith.constant 0 : i32
    %dma_start3A_80 = tpu.memref_slice %arg3[%dma_start3A_78, %dma_start3A_79] : memref<100000x128xf32, #tpu.memory_space<hbm>> -> memref<100000x128xf32, #tpu.memory_space<hbm>>
    tpu.enqueue_indirect_dma source(%dma_start3A_80 : memref<100000x128xf32, #tpu.memory_space<hbm>>) target(%dma_start3A_75 : memref<128x128xf32, #tpu.memory_space<vmem>>) offsets(%dma_start3A_77 : memref<128xi32, #tpu.memory_space<vmem>>) semaphore(%arg9 : memref<!tpu.dma_semaphore, #tpu.memory_space<semaphore_mem>>)
    %dma_start3A_81 = arith.constant 128 : i32
    %dma_start3A_82 = arith.constant 0 : i32
    %dma_start3A_83 = tpu.memref_slice %arg7[%dma_start3A_81, %dma_start3A_82] : memref<256x128xf32, #tpu.memory_space<vmem>> -> memref<128x128xf32, #tpu.memory_space<vmem>>
    %dma_start3A_84 = arith.constant 384 : i32
    %dma_start3A_85 = tpu.memref_slice %arg5[%dma_start3A_84] : memref<25600xi32, #tpu.memory_space<vmem>> -> memref<128xi32, #tpu.memory_space<vmem>>
    %dma_start3A_86 = arith.constant 0 : i32
    %dma_start3A_87 = arith.constant 0 : i32
    %dma_start3A_88 = tpu.memref_slice %arg3[%dma_start3A_86, %dma_start3A_87] : memref<100000x128xf32, #tpu.memory_space<hbm>> -> memref<100000x128xf32, #tpu.memory_space<hbm>>
    tpu.enqueue_indirect_dma source(%dma_start3A_88 : memref<100000x128xf32, #tpu.memory_space<hbm>>) target(%dma_start3A_83 : memref<128x128xf32, #tpu.memory_space<vmem>>) offsets(%dma_start3A_85 : memref<128xi32, #tpu.memory_space<vmem>>) semaphore(%arg9 : memref<!tpu.dma_semaphore, #tpu.memory_space<semaphore_mem>>)
    %scan3A = arith.constant 0 : i32
    %scan3A_89 = arith.constant 0 : i32
    %scan3A_90 = arith.constant 49 : i32
    %scan3A_91 = arith.addi %scan3A_89, %scan3A_90 : i32
    %scan3A_92 = arith.constant 1 : i32
    %scan3A_93 = scf.for %scan3A_151 = %scan3A_89 to %scan3A_91 step %scan3A_92 iter_args(%scan3A_152 = %scan3A) -> (i32)  : i32 {
      %mul3A_153 = arith.constant 2 : i32
      %mul3A_154 = arith.muli %scan3A_151, %mul3A_153 : i32
      %add3A_155 = arith.constant 0 : i32
      %add3A_156 = arith.addi %mul3A_154, %add3A_155 : i32
      %mul3A_157 = arith.constant 256 : i32
      %mul3A_158 = arith.muli %add3A_156, %mul3A_157 : i32
      %add3A_159 = arith.constant 0 : i32
      %add3A_160 = arith.addi %mul3A_158, %add3A_159 : i32
      %dma_wait3A_161 = arith.constant 0 : i32
      %dma_wait3A_162 = arith.constant 0 : i32
      %dma_wait3A_163 = tpu.memref_slice %arg6[%dma_wait3A_161, %dma_wait3A_162] : memref<256x128xf32, #tpu.memory_space<vmem>> -> memref<128x128xf32, #tpu.memory_space<vmem>>
      %dma_wait3A_164 = tpu.memref_slice %arg5[%add3A_160] : memref<25600xi32, #tpu.memory_space<vmem>> -> memref<128xi32, #tpu.memory_space<vmem>>
      %dma_wait3A_165 = arith.constant 0 : i32
      %dma_wait3A_166 = arith.constant 0 : i32
      %dma_wait3A_167 = tpu.memref_slice %arg3[%dma_wait3A_165, %dma_wait3A_166] : memref<100000x128xf32, #tpu.memory_space<hbm>> -> memref<100000x128xf32, #tpu.memory_space<hbm>>
      tpu.wait_indirect_dma semaphore(%arg9 : memref<!tpu.dma_semaphore, #tpu.memory_space<semaphore_mem>>) src(%dma_wait3A_167 : memref<100000x128xf32, #tpu.memory_space<hbm>>) dst(%dma_wait3A_163 : memref<128x128xf32, #tpu.memory_space<vmem>>)
      %mul3A_168 = arith.constant 256 : i32
      %mul3A_169 = arith.muli %add3A_156, %mul3A_168 : i32
      %add3A_170 = arith.constant 128 : i32
      %add3A_171 = arith.addi %mul3A_169, %add3A_170 : i32
      %dma_wait3A_172 = arith.constant 128 : i32
      %dma_wait3A_173 = arith.constant 0 : i32
      %dma_wait3A_174 = tpu.memref_slice %arg6[%dma_wait3A_172, %dma_wait3A_173] : memref<256x128xf32, #tpu.memory_space<vmem>> -> memref<128x128xf32, #tpu.memory_space<vmem>>
      %dma_wait3A_175 = tpu.memref_slice %arg5[%add3A_171] : memref<25600xi32, #tpu.memory_space<vmem>> -> memref<128xi32, #tpu.memory_space<vmem>>
      %dma_wait3A_176 = arith.constant 0 : i32
      %dma_wait3A_177 = arith.constant 0 : i32
      %dma_wait3A_178 = tpu.memref_slice %arg3[%dma_wait3A_176, %dma_wait3A_177] : memref<100000x128xf32, #tpu.memory_space<hbm>> -> memref<100000x128xf32, #tpu.memory_space<hbm>>
      tpu.wait_indirect_dma semaphore(%arg9 : memref<!tpu.dma_semaphore, #tpu.memory_space<semaphore_mem>>) src(%dma_wait3A_178 : memref<100000x128xf32, #tpu.memory_space<hbm>>) dst(%dma_wait3A_174 : memref<128x128xf32, #tpu.memory_space<vmem>>)
      %mul3A_179 = arith.constant 256 : i32
      %mul3A_180 = arith.muli %add3A_156, %mul3A_179 : i32
      %add3A_181 = arith.addi %mul3A_2, %mul3A_180 : i32
      %dma_start3A_182 = arith.constant 0 : i32
      %dma_start3A_183 = tpu.memref_slice %arg4[%add3A_181, %dma_start3A_182] : memref<819200x128xf32, #tpu.memory_space<hbm>> -> memref<256x128xf32, #tpu.memory_space<hbm>>
      %dma_start3A_184 = arith.constant 0 : i32
      %dma_start3A_185 = tpu.memref_slice %arg4[%add3A_181, %dma_start3A_184] : memref<819200x128xf32, #tpu.memory_space<hbm>> -> memref<256x128xf32, #tpu.memory_space<hbm>>
      tpu.enqueue_dma source(%arg6 : memref<256x128xf32, #tpu.memory_space<vmem>>) target(%dma_start3A_185 : memref<256x128xf32, #tpu.memory_space<hbm>>) target_semaphore(%arg10 : memref<!tpu.dma_semaphore, #tpu.memory_space<semaphore_mem>>)
      %mul3A_186 = arith.constant 256 : i32
      %mul3A_187 = arith.muli %add3A_156, %mul3A_186 : i32
      %add3A_188 = arith.addi %mul3A_2, %mul3A_187 : i32
      %dma_wait3A_189 = arith.constant 0 : i32
      %dma_wait3A_190 = tpu.memref_slice %arg4[%add3A_188, %dma_wait3A_189] : memref<819200x128xf32, #tpu.memory_space<hbm>> -> memref<256x128xf32, #tpu.memory_space<hbm>>
      %dma_wait3A_191 = arith.constant 0 : i32
      %dma_wait3A_192 = tpu.memref_slice %arg4[%add3A_188, %dma_wait3A_191] : memref<819200x128xf32, #tpu.memory_space<hbm>> -> memref<256x128xf32, #tpu.memory_space<hbm>>
      tpu.wait_dma2 semaphore(%arg10 : memref<!tpu.dma_semaphore, #tpu.memory_space<semaphore_mem>>) src(%arg6 : memref<256x128xf32, #tpu.memory_space<vmem>>) dst(%dma_wait3A_192 : memref<256x128xf32, #tpu.memory_space<hbm>>)
      %add3A_193 = arith.constant 2 : i32
      %add3A_194 = arith.addi %add3A_156, %add3A_193 : i32
      %mul3A_195 = arith.constant 256 : i32
      %mul3A_196 = arith.muli %add3A_194, %mul3A_195 : i32
      %add3A_197 = arith.constant 0 : i32
      %add3A_198 = arith.addi %mul3A_196, %add3A_197 : i32
      %dma_start3A_199 = arith.constant 0 : i32
      %dma_start3A_200 = arith.constant 0 : i32
      %dma_start3A_201 = tpu.memref_slice %arg6[%dma_start3A_199, %dma_start3A_200] : memref<256x128xf32, #tpu.memory_space<vmem>> -> memref<128x128xf32, #tpu.memory_space<vmem>>
      %dma_start3A_202 = tpu.memref_slice %arg5[%add3A_198] : memref<25600xi32, #tpu.memory_space<vmem>> -> memref<128xi32, #tpu.memory_space<vmem>>
      %dma_start3A_203 = arith.constant 0 : i32
      %dma_start3A_204 = arith.constant 0 : i32
      %dma_start3A_205 = tpu.memref_slice %arg3[%dma_start3A_203, %dma_start3A_204] : memref<100000x128xf32, #tpu.memory_space<hbm>> -> memref<100000x128xf32, #tpu.memory_space<hbm>>
      tpu.enqueue_indirect_dma source(%dma_start3A_205 : memref<100000x128xf32, #tpu.memory_space<hbm>>) target(%dma_start3A_201 : memref<128x128xf32, #tpu.memory_space<vmem>>) offsets(%dma_start3A_202 : memref<128xi32, #tpu.memory_space<vmem>>) semaphore(%arg9 : memref<!tpu.dma_semaphore, #tpu.memory_space<semaphore_mem>>)
      %mul3A_206 = arith.constant 256 : i32
      %mul3A_207 = arith.muli %add3A_194, %mul3A_206 : i32
      %add3A_208 = arith.constant 128 : i32
      %add3A_209 = arith.addi %mul3A_207, %add3A_208 : i32
      %dma_start3A_210 = arith.constant 128 : i32
      %dma_start3A_211 = arith.constant 0 : i32
      %dma_start3A_212 = tpu.memref_slice %arg6[%dma_start3A_210, %dma_start3A_211] : memref<256x128xf32, #tpu.memory_space<vmem>> -> memref<128x128xf32, #tpu.memory_space<vmem>>
      %dma_start3A_213 = tpu.memref_slice %arg5[%add3A_209] : memref<25600xi32, #tpu.memory_space<vmem>> -> memref<128xi32, #tpu.memory_space<vmem>>
      %dma_start3A_214 = arith.constant 0 : i32
      %dma_start3A_215 = arith.constant 0 : i32
      %dma_start3A_216 = tpu.memref_slice %arg3[%dma_start3A_214, %dma_start3A_215] : memref<100000x128xf32, #tpu.memory_space<hbm>> -> memref<100000x128xf32, #tpu.memory_space<hbm>>
      tpu.enqueue_indirect_dma source(%dma_start3A_216 : memref<100000x128xf32, #tpu.memory_space<hbm>>) target(%dma_start3A_212 : memref<128x128xf32, #tpu.memory_space<vmem>>) offsets(%dma_start3A_213 : memref<128xi32, #tpu.memory_space<vmem>>) semaphore(%arg9 : memref<!tpu.dma_semaphore, #tpu.memory_space<semaphore_mem>>)
      %mul3A_217 = arith.constant 2 : i32
      %mul3A_218 = arith.muli %scan3A_151, %mul3A_217 : i32
      %add3A_219 = arith.constant 1 : i32
      %add3A_220 = arith.addi %mul3A_218, %add3A_219 : i32
      %mul3A_221 = arith.constant 256 : i32
      %mul3A_222 = arith.muli %add3A_220, %mul3A_221 : i32
      %add3A_223 = arith.constant 0 : i32
      %add3A_224 = arith.addi %mul3A_222, %add3A_223 : i32
      %dma_wait3A_225 = arith.constant 0 : i32
      %dma_wait3A_226 = arith.constant 0 : i32
      %dma_wait3A_227 = tpu.memref_slice %arg7[%dma_wait3A_225, %dma_wait3A_226] : memref<256x128xf32, #tpu.memory_space<vmem>> -> memref<128x128xf32, #tpu.memory_space<vmem>>
      %dma_wait3A_228 = tpu.memref_slice %arg5[%add3A_224] : memref<25600xi32, #tpu.memory_space<vmem>> -> memref<128xi32, #tpu.memory_space<vmem>>
      %dma_wait3A_229 = arith.constant 0 : i32
      %dma_wait3A_230 = arith.constant 0 : i32
      %dma_wait3A_231 = tpu.memref_slice %arg3[%dma_wait3A_229, %dma_wait3A_230] : memref<100000x128xf32, #tpu.memory_space<hbm>> -> memref<100000x128xf32, #tpu.memory_space<hbm>>
      tpu.wait_indirect_dma semaphore(%arg9 : memref<!tpu.dma_semaphore, #tpu.memory_space<semaphore_mem>>) src(%dma_wait3A_231 : memref<100000x128xf32, #tpu.memory_space<hbm>>) dst(%dma_wait3A_227 : memref<128x128xf32, #tpu.memory_space<vmem>>)
      %mul3A_232 = arith.constant 256 : i32
      %mul3A_233 = arith.muli %add3A_220, %mul3A_232 : i32
      %add3A_234 = arith.constant 128 : i32
      %add3A_235 = arith.addi %mul3A_233, %add3A_234 : i32
      %dma_wait3A_236 = arith.constant 128 : i32
      %dma_wait3A_237 = arith.constant 0 : i32
      %dma_wait3A_238 = tpu.memref_slice %arg7[%dma_wait3A_236, %dma_wait3A_237] : memref<256x128xf32, #tpu.memory_space<vmem>> -> memref<128x128xf32, #tpu.memory_space<vmem>>
      %dma_wait3A_239 = tpu.memref_slice %arg5[%add3A_235] : memref<25600xi32, #tpu.memory_space<vmem>> -> memref<128xi32, #tpu.memory_space<vmem>>
      %dma_wait3A_240 = arith.constant 0 : i32
      %dma_wait3A_241 = arith.constant 0 : i32
      %dma_wait3A_242 = tpu.memref_slice %arg3[%dma_wait3A_240, %dma_wait3A_241] : memref<100000x128xf32, #tpu.memory_space<hbm>> -> memref<100000x128xf32, #tpu.memory_space<hbm>>
      tpu.wait_indirect_dma semaphore(%arg9 : memref<!tpu.dma_semaphore, #tpu.memory_space<semaphore_mem>>) src(%dma_wait3A_242 : memref<100000x128xf32, #tpu.memory_space<hbm>>) dst(%dma_wait3A_238 : memref<128x128xf32, #tpu.memory_space<vmem>>)
      %mul3A_243 = arith.constant 256 : i32
      %mul3A_244 = arith.muli %add3A_220, %mul3A_243 : i32
      %add3A_245 = arith.addi %mul3A_2, %mul3A_244 : i32
      %dma_start3A_246 = arith.constant 0 : i32
      %dma_start3A_247 = tpu.memref_slice %arg4[%add3A_245, %dma_start3A_246] : memref<819200x128xf32, #tpu.memory_space<hbm>> -> memref<256x128xf32, #tpu.memory_space<hbm>>
      %dma_start3A_248 = arith.constant 0 : i32
      %dma_start3A_249 = tpu.memref_slice %arg4[%add3A_245, %dma_start3A_248] : memref<819200x128xf32, #tpu.memory_space<hbm>> -> memref<256x128xf32, #tpu.memory_space<hbm>>
      tpu.enqueue_dma source(%arg7 : memref<256x128xf32, #tpu.memory_space<vmem>>) target(%dma_start3A_249 : memref<256x128xf32, #tpu.memory_space<hbm>>) target_semaphore(%arg10 : memref<!tpu.dma_semaphore, #tpu.memory_space<semaphore_mem>>)
      %mul3A_250 = arith.constant 256 : i32
      %mul3A_251 = arith.muli %add3A_220, %mul3A_250 : i32
      %add3A_252 = arith.addi %mul3A_2, %mul3A_251 : i32
      %dma_wait3A_253 = arith.constant 0 : i32
      %dma_wait3A_254 = tpu.memref_slice %arg4[%add3A_252, %dma_wait3A_253] : memref<819200x128xf32, #tpu.memory_space<hbm>> -> memref<256x128xf32, #tpu.memory_space<hbm>>
      %dma_wait3A_255 = arith.constant 0 : i32
      %dma_wait3A_256 = tpu.memref_slice %arg4[%add3A_252, %dma_wait3A_255] : memref<819200x128xf32, #tpu.memory_space<hbm>> -> memref<256x128xf32, #tpu.memory_space<hbm>>
      tpu.wait_dma2 semaphore(%arg10 : memref<!tpu.dma_semaphore, #tpu.memory_space<semaphore_mem>>) src(%arg7 : memref<256x128xf32, #tpu.memory_space<vmem>>) dst(%dma_wait3A_256 : memref<256x128xf32, #tpu.memory_space<hbm>>)
      %add3A_257 = arith.constant 2 : i32
      %add3A_258 = arith.addi %add3A_220, %add3A_257 : i32
      %mul3A_259 = arith.constant 256 : i32
      %mul3A_260 = arith.muli %add3A_258, %mul3A_259 : i32
      %add3A_261 = arith.constant 0 : i32
      %add3A_262 = arith.addi %mul3A_260, %add3A_261 : i32
      %dma_start3A_263 = arith.constant 0 : i32
      %dma_start3A_264 = arith.constant 0 : i32
      %dma_start3A_265 = tpu.memref_slice %arg7[%dma_start3A_263, %dma_start3A_264] : memref<256x128xf32, #tpu.memory_space<vmem>> -> memref<128x128xf32, #tpu.memory_space<vmem>>
      %dma_start3A_266 = tpu.memref_slice %arg5[%add3A_262] : memref<25600xi32, #tpu.memory_space<vmem>> -> memref<128xi32, #tpu.memory_space<vmem>>
      %dma_start3A_267 = arith.constant 0 : i32
      %dma_start3A_268 = arith.constant 0 : i32
      %dma_start3A_269 = tpu.memref_slice %arg3[%dma_start3A_267, %dma_start3A_268] : memref<100000x128xf32, #tpu.memory_space<hbm>> -> memref<100000x128xf32, #tpu.memory_space<hbm>>
      tpu.enqueue_indirect_dma source(%dma_start3A_269 : memref<100000x128xf32, #tpu.memory_space<hbm>>) target(%dma_start3A_265 : memref<128x128xf32, #tpu.memory_space<vmem>>) offsets(%dma_start3A_266 : memref<128xi32, #tpu.memory_space<vmem>>) semaphore(%arg9 : memref<!tpu.dma_semaphore, #tpu.memory_space<semaphore_mem>>)
      %mul3A_270 = arith.constant 256 : i32
      %mul3A_271 = arith.muli %add3A_258, %mul3A_270 : i32
      %add3A_272 = arith.constant 128 : i32
      %add3A_273 = arith.addi %mul3A_271, %add3A_272 : i32
      %dma_start3A_274 = arith.constant 128 : i32
      %dma_start3A_275 = arith.constant 0 : i32
      %dma_start3A_276 = tpu.memref_slice %arg7[%dma_start3A_274, %dma_start3A_275] : memref<256x128xf32, #tpu.memory_space<vmem>> -> memref<128x128xf32, #tpu.memory_space<vmem>>
      %dma_start3A_277 = tpu.memref_slice %arg5[%add3A_273] : memref<25600xi32, #tpu.memory_space<vmem>> -> memref<128xi32, #tpu.memory_space<vmem>>
      %dma_start3A_278 = arith.constant 0 : i32
      %dma_start3A_279 = arith.constant 0 : i32
      %dma_start3A_280 = tpu.memref_slice %arg3[%dma_start3A_278, %dma_start3A_279] : memref<100000x128xf32, #tpu.memory_space<hbm>> -> memref<100000x128xf32, #tpu.memory_space<hbm>>
      tpu.enqueue_indirect_dma source(%dma_start3A_280 : memref<100000x128xf32, #tpu.memory_space<hbm>>) target(%dma_start3A_276 : memref<128x128xf32, #tpu.memory_space<vmem>>) offsets(%dma_start3A_277 : memref<128xi32, #tpu.memory_space<vmem>>) semaphore(%arg9 : memref<!tpu.dma_semaphore, #tpu.memory_space<semaphore_mem>>)
      %scan3A_281 = arith.constant 0 : i32
      scf.yield %scan3A_281 : i32
    }
    %scan3A_94 = arith.constant 49 : i32
    %dma_wait3A_95 = arith.constant 0 : i32
    %dma_wait3A_96 = arith.constant 0 : i32
    %dma_wait3A_97 = tpu.memref_slice %arg6[%dma_wait3A_95, %dma_wait3A_96] : memref<256x128xf32, #tpu.memory_space<vmem>> -> memref<128x128xf32, #tpu.memory_space<vmem>>
    %dma_wait3A_98 = arith.constant 25088 : i32
    %dma_wait3A_99 = tpu.memref_slice %arg5[%dma_wait3A_98] : memref<25600xi32, #tpu.memory_space<vmem>> -> memref<128xi32, #tpu.memory_space<vmem>>
    %dma_wait3A_100 = arith.constant 0 : i32
    %dma_wait3A_101 = arith.constant 0 : i32
    %dma_wait3A_102 = tpu.memref_slice %arg3[%dma_wait3A_100, %dma_wait3A_101] : memref<100000x128xf32, #tpu.memory_space<hbm>> -> memref<100000x128xf32, #tpu.memory_space<hbm>>
    tpu.wait_indirect_dma semaphore(%arg9 : memref<!tpu.dma_semaphore, #tpu.memory_space<semaphore_mem>>) src(%dma_wait3A_102 : memref<100000x128xf32, #tpu.memory_space<hbm>>) dst(%dma_wait3A_97 : memref<128x128xf32, #tpu.memory_space<vmem>>)
    %dma_wait3A_103 = arith.constant 128 : i32
    %dma_wait3A_104 = arith.constant 0 : i32
    %dma_wait3A_105 = tpu.memref_slice %arg6[%dma_wait3A_103, %dma_wait3A_104] : memref<256x128xf32, #tpu.memory_space<vmem>> -> memref<128x128xf32, #tpu.memory_space<vmem>>
    %dma_wait3A_106 = arith.constant 25216 : i32
    %dma_wait3A_107 = tpu.memref_slice %arg5[%dma_wait3A_106] : memref<25600xi32, #tpu.memory_space<vmem>> -> memref<128xi32, #tpu.memory_space<vmem>>
    %dma_wait3A_108 = arith.constant 0 : i32
    %dma_wait3A_109 = arith.constant 0 : i32
    %dma_wait3A_110 = tpu.memref_slice %arg3[%dma_wait3A_108, %dma_wait3A_109] : memref<100000x128xf32, #tpu.memory_space<hbm>> -> memref<100000x128xf32, #tpu.memory_space<hbm>>
    tpu.wait_indirect_dma semaphore(%arg9 : memref<!tpu.dma_semaphore, #tpu.memory_space<semaphore_mem>>) src(%dma_wait3A_110 : memref<100000x128xf32, #tpu.memory_space<hbm>>) dst(%dma_wait3A_105 : memref<128x128xf32, #tpu.memory_space<vmem>>)
    %add3A_111 = arith.constant 25088 : i32
    %add3A_112 = arith.addi %mul3A_2, %add3A_111 : i32
    %dma_start3A_113 = arith.constant 0 : i32
    %dma_start3A_114 = tpu.memref_slice %arg4[%add3A_112, %dma_start3A_113] : memref<819200x128xf32, #tpu.memory_space<hbm>> -> memref<256x128xf32, #tpu.memory_space<hbm>>
    %dma_start3A_115 = arith.constant 0 : i32
    %dma_start3A_116 = tpu.memref_slice %arg4[%add3A_112, %dma_start3A_115] : memref<819200x128xf32, #tpu.memory_space<hbm>> -> memref<256x128xf32, #tpu.memory_space<hbm>>
    tpu.enqueue_dma source(%arg6 : memref<256x128xf32, #tpu.memory_space<vmem>>) target(%dma_start3A_116 : memref<256x128xf32, #tpu.memory_space<hbm>>) target_semaphore(%arg10 : memref<!tpu.dma_semaphore, #tpu.memory_space<semaphore_mem>>)
    %add3A_117 = arith.constant 25088 : i32
    %add3A_118 = arith.addi %mul3A_2, %add3A_117 : i32
    %dma_wait3A_119 = arith.constant 0 : i32
    %dma_wait3A_120 = tpu.memref_slice %arg4[%add3A_118, %dma_wait3A_119] : memref<819200x128xf32, #tpu.memory_space<hbm>> -> memref<256x128xf32, #tpu.memory_space<hbm>>
    %dma_wait3A_121 = arith.constant 0 : i32
    %dma_wait3A_122 = tpu.memref_slice %arg4[%add3A_118, %dma_wait3A_121] : memref<819200x128xf32, #tpu.memory_space<hbm>> -> memref<256x128xf32, #tpu.memory_space<hbm>>
    tpu.wait_dma2 semaphore(%arg10 : memref<!tpu.dma_semaphore, #tpu.memory_space<semaphore_mem>>) src(%arg6 : memref<256x128xf32, #tpu.memory_space<vmem>>) dst(%dma_wait3A_122 : memref<256x128xf32, #tpu.memory_space<hbm>>)
    %dma_wait3A_123 = arith.constant 0 : i32
    %dma_wait3A_124 = arith.constant 0 : i32
    %dma_wait3A_125 = tpu.memref_slice %arg7[%dma_wait3A_123, %dma_wait3A_124] : memref<256x128xf32, #tpu.memory_space<vmem>> -> memref<128x128xf32, #tpu.memory_space<vmem>>
    %dma_wait3A_126 = arith.constant 25344 : i32
    %dma_wait3A_127 = tpu.memref_slice %arg5[%dma_wait3A_126] : memref<25600xi32, #tpu.memory_space<vmem>> -> memref<128xi32, #tpu.memory_space<vmem>>
    %dma_wait3A_128 = arith.constant 0 : i32
    %dma_wait3A_129 = arith.constant 0 : i32
    %dma_wait3A_130 = tpu.memref_slice %arg3[%dma_wait3A_128, %dma_wait3A_129] : memref<100000x128xf32, #tpu.memory_space<hbm>> -> memref<100000x128xf32, #tpu.memory_space<hbm>>
    tpu.wait_indirect_dma semaphore(%arg9 : memref<!tpu.dma_semaphore, #tpu.memory_space<semaphore_mem>>) src(%dma_wait3A_130 : memref<100000x128xf32, #tpu.memory_space<hbm>>) dst(%dma_wait3A_125 : memref<128x128xf32, #tpu.memory_space<vmem>>)
    %dma_wait3A_131 = arith.constant 128 : i32
    %dma_wait3A_132 = arith.constant 0 : i32
    %dma_wait3A_133 = tpu.memref_slice %arg7[%dma_wait3A_131, %dma_wait3A_132] : memref<256x128xf32, #tpu.memory_space<vmem>> -> memref<128x128xf32, #tpu.memory_space<vmem>>
    %dma_wait3A_134 = arith.constant 25472 : i32
    %dma_wait3A_135 = tpu.memref_slice %arg5[%dma_wait3A_134] : memref<25600xi32, #tpu.memory_space<vmem>> -> memref<128xi32, #tpu.memory_space<vmem>>
    %dma_wait3A_136 = arith.constant 0 : i32
    %dma_wait3A_137 = arith.constant 0 : i32
    %dma_wait3A_138 = tpu.memref_slice %arg3[%dma_wait3A_136, %dma_wait3A_137] : memref<100000x128xf32, #tpu.memory_space<hbm>> -> memref<100000x128xf32, #tpu.memory_space<hbm>>
    tpu.wait_indirect_dma semaphore(%arg9 : memref<!tpu.dma_semaphore, #tpu.memory_space<semaphore_mem>>) src(%dma_wait3A_138 : memref<100000x128xf32, #tpu.memory_space<hbm>>) dst(%dma_wait3A_133 : memref<128x128xf32, #tpu.memory_space<vmem>>)
    %add3A_139 = arith.constant 25344 : i32
    %add3A_140 = arith.addi %mul3A_2, %add3A_139 : i32
    %dma_start3A_141 = arith.constant 0 : i32
    %dma_start3A_142 = tpu.memref_slice %arg4[%add3A_140, %dma_start3A_141] : memref<819200x128xf32, #tpu.memory_space<hbm>> -> memref<256x128xf32, #tpu.memory_space<hbm>>
    %dma_start3A_143 = arith.constant 0 : i32
    %dma_start3A_144 = tpu.memref_slice %arg4[%add3A_140, %dma_start3A_143] : memref<819200x128xf32, #tpu.memory_space<hbm>> -> memref<256x128xf32, #tpu.memory_space<hbm>>
    tpu.enqueue_dma source(%arg7 : memref<256x128xf32, #tpu.memory_space<vmem>>) target(%dma_start3A_144 : memref<256x128xf32, #tpu.memory_space<hbm>>) target_semaphore(%arg10 : memref<!tpu.dma_semaphore, #tpu.memory_space<semaphore_mem>>)
    %add3A_145 = arith.constant 25344 : i32
    %add3A_146 = arith.addi %mul3A_2, %add3A_145 : i32
    %dma_wait3A_147 = arith.constant 0 : i32
    %dma_wait3A_148 = tpu.memref_slice %arg4[%add3A_146, %dma_wait3A_147] : memref<819200x128xf32, #tpu.memory_space<hbm>> -> memref<256x128xf32, #tpu.memory_space<hbm>>
    %dma_wait3A_149 = arith.constant 0 : i32
    %dma_wait3A_150 = tpu.memref_slice %arg4[%add3A_146, %dma_wait3A_149] : memref<819200x128xf32, #tpu.memory_space<hbm>> -> memref<256x128xf32, #tpu.memory_space<hbm>>
    tpu.wait_dma2 semaphore(%arg10 : memref<!tpu.dma_semaphore, #tpu.memory_space<semaphore_mem>>) src(%arg7 : memref<256x128xf32, #tpu.memory_space<vmem>>) dst(%dma_wait3A_150 : memref<256x128xf32, #tpu.memory_space<hbm>>)
    return
  }
}

#map = affine_map<(d0, d1) -> (0, 0)>
#map1 = affine_map<(d0, d1) -> (0)>
module attributes {stable_mosaic.version = 14 : i64} {
  func.func @_build_combined(%arg0: i32, %arg1: i32, %arg2: memref<400000x32xf32, #tpu.memory_space<hbm>>, %arg3: memref<80000xi32, #tpu.memory_space<hbm>>, %arg4: memref<32000xi32, #tpu.memory_space<hbm>>, %arg5: memref<30000x32xf32, #tpu.memory_space<hbm>>, %arg6: memref<10000x32xf32, #tpu.memory_space<hbm>>, %arg7: memref<400000x32xf32, #tpu.memory_space<hbm>>, %arg8: memref<1600xi32, #tpu.memory_space<vmem>>, %arg9: memref<1600xi32, #tpu.memory_space<vmem>>, %arg10: memref<1800x32xf32, #tpu.memory_space<vmem>>, %arg11: memref<1800x32xf32, #tpu.memory_space<vmem>>, %arg12: memref<!tpu.dma_semaphore, #tpu.memory_space<semaphore_mem>>, %arg13: memref<!tpu.dma_semaphore, #tpu.memory_space<semaphore_mem>>, %arg14: memref<!tpu.dma_semaphore, #tpu.memory_space<semaphore_mem>>) attributes {dimension_semantics = [#tpu.dimension_semantics<core_parallel>, #tpu.dimension_semantics<subcore_parallel>], iteration_bounds = array<i64: 2, 16>, scalar_prefetch = 0 : i64, scratch_operands = 7 : i64, tpu.core_type = #tpu.core_type<sc_vector_subcore>, window_params = [{transform_indices = #map}, {transform_indices = #map1}, {transform_indices = #map1}, {transform_indices = #map}, {transform_indices = #map}, {transform_indices = #map}]} {
    %mul3A = arith.constant 2 : i32
    %mul3A_0 = arith.muli %arg1, %mul3A : i32
    %add3A = arith.addi %mul3A_0, %arg0 : i32
    %lt3A = arith.constant 12 : i32
    %lt3A_1 = arith.cmpi slt, %add3A, %lt3A : i32
    %convert_element_type3A = arith.extui %lt3A_1 : i1 to i32
    %cond3A = arith.constant 0 : i32
    %cond3A_2 = arith.cmpi ne, %convert_element_type3A, %cond3A : i32
    scf.if %cond3A_2 {
      %mul3A_37 = arith.constant 8880 : i32
      %mul3A_38 = arith.muli %add3A, %mul3A_37 : i32
      %add3A_39 = arith.constant 116000 : i32
      %add3A_40 = arith.addi %add3A_39, %mul3A_38 : i32
      %add3A_41 = arith.constant 0 : i32
      %add3A_42 = arith.addi %add3A_40, %add3A_41 : i32
      %dma_start3A_43 = arith.constant 0 : i32
      %dma_start3A_44 = arith.constant 0 : i32
      %dma_start3A_45 = tpu.memref_slice %arg10[%dma_start3A_43, %dma_start3A_44] : memref<1800x32xf32, #tpu.memory_space<vmem>> -> memref<1800x32xf32, #tpu.memory_space<vmem>>
      %dma_start3A_46 = arith.constant 0 : i32
      %dma_start3A_47 = tpu.memref_slice %arg2[%add3A_42, %dma_start3A_46] : memref<400000x32xf32, #tpu.memory_space<hbm>> -> memref<1800x32xf32, #tpu.memory_space<hbm>>
      %dma_start3A_48 = arith.constant 0 : i32
      %dma_start3A_49 = arith.constant 0 : i32
      %dma_start3A_50 = tpu.memref_slice %arg10[%dma_start3A_48, %dma_start3A_49] : memref<1800x32xf32, #tpu.memory_space<vmem>> -> memref<1800x32xf32, #tpu.memory_space<vmem>>
      %dma_start3A_51 = arith.constant 0 : i32
      %dma_start3A_52 = tpu.memref_slice %arg2[%add3A_42, %dma_start3A_51] : memref<400000x32xf32, #tpu.memory_space<hbm>> -> memref<1800x32xf32, #tpu.memory_space<hbm>>
      tpu.enqueue_dma source(%dma_start3A_52 : memref<1800x32xf32, #tpu.memory_space<hbm>>) target(%dma_start3A_50 : memref<1800x32xf32, #tpu.memory_space<vmem>>) target_semaphore(%arg12 : memref<!tpu.dma_semaphore, #tpu.memory_space<semaphore_mem>>)
      %add3A_53 = arith.constant 1800 : i32
      %add3A_54 = arith.addi %add3A_40, %add3A_53 : i32
      %dma_start3A_55 = arith.constant 0 : i32
      %dma_start3A_56 = arith.constant 0 : i32
      %dma_start3A_57 = tpu.memref_slice %arg11[%dma_start3A_55, %dma_start3A_56] : memref<1800x32xf32, #tpu.memory_space<vmem>> -> memref<1800x32xf32, #tpu.memory_space<vmem>>
      %dma_start3A_58 = arith.constant 0 : i32
      %dma_start3A_59 = tpu.memref_slice %arg2[%add3A_54, %dma_start3A_58] : memref<400000x32xf32, #tpu.memory_space<hbm>> -> memref<1800x32xf32, #tpu.memory_space<hbm>>
      %dma_start3A_60 = arith.constant 0 : i32
      %dma_start3A_61 = arith.constant 0 : i32
      %dma_start3A_62 = tpu.memref_slice %arg11[%dma_start3A_60, %dma_start3A_61] : memref<1800x32xf32, #tpu.memory_space<vmem>> -> memref<1800x32xf32, #tpu.memory_space<vmem>>
      %dma_start3A_63 = arith.constant 0 : i32
      %dma_start3A_64 = tpu.memref_slice %arg2[%add3A_54, %dma_start3A_63] : memref<400000x32xf32, #tpu.memory_space<hbm>> -> memref<1800x32xf32, #tpu.memory_space<hbm>>
      tpu.enqueue_dma source(%dma_start3A_64 : memref<1800x32xf32, #tpu.memory_space<hbm>>) target(%dma_start3A_62 : memref<1800x32xf32, #tpu.memory_space<vmem>>) target_semaphore(%arg12 : memref<!tpu.dma_semaphore, #tpu.memory_space<semaphore_mem>>)
      %add3A_65 = arith.constant 0 : i32
      %add3A_66 = arith.addi %add3A_40, %add3A_65 : i32
      %dma_wait3A_67 = arith.constant 0 : i32
      %dma_wait3A_68 = arith.constant 0 : i32
      %dma_wait3A_69 = tpu.memref_slice %arg10[%dma_wait3A_67, %dma_wait3A_68] : memref<1800x32xf32, #tpu.memory_space<vmem>> -> memref<1800x32xf32, #tpu.memory_space<vmem>>
      %dma_wait3A_70 = arith.constant 0 : i32
      %dma_wait3A_71 = tpu.memref_slice %arg2[%add3A_66, %dma_wait3A_70] : memref<400000x32xf32, #tpu.memory_space<hbm>> -> memref<1800x32xf32, #tpu.memory_space<hbm>>
      %dma_wait3A_72 = arith.constant 0 : i32
      %dma_wait3A_73 = arith.constant 0 : i32
      %dma_wait3A_74 = tpu.memref_slice %arg10[%dma_wait3A_72, %dma_wait3A_73] : memref<1800x32xf32, #tpu.memory_space<vmem>> -> memref<1800x32xf32, #tpu.memory_space<vmem>>
      %dma_wait3A_75 = arith.constant 0 : i32
      %dma_wait3A_76 = tpu.memref_slice %arg2[%add3A_66, %dma_wait3A_75] : memref<400000x32xf32, #tpu.memory_space<hbm>> -> memref<1800x32xf32, #tpu.memory_space<hbm>>
      tpu.wait_dma2 semaphore(%arg12 : memref<!tpu.dma_semaphore, #tpu.memory_space<semaphore_mem>>) src(%dma_wait3A_76 : memref<1800x32xf32, #tpu.memory_space<hbm>>) dst(%dma_wait3A_74 : memref<1800x32xf32, #tpu.memory_space<vmem>>)
      %add3A_77 = arith.constant 0 : i32
      %add3A_78 = arith.addi %add3A_40, %add3A_77 : i32
      %dma_start3A_79 = arith.constant 0 : i32
      %dma_start3A_80 = arith.constant 0 : i32
      %dma_start3A_81 = tpu.memref_slice %arg10[%dma_start3A_79, %dma_start3A_80] : memref<1800x32xf32, #tpu.memory_space<vmem>> -> memref<1800x32xf32, #tpu.memory_space<vmem>>
      %dma_start3A_82 = arith.constant 0 : i32
      %dma_start3A_83 = tpu.memref_slice %arg7[%add3A_78, %dma_start3A_82] : memref<400000x32xf32, #tpu.memory_space<hbm>> -> memref<1800x32xf32, #tpu.memory_space<hbm>>
      %dma_start3A_84 = arith.constant 0 : i32
      %dma_start3A_85 = tpu.memref_slice %arg7[%add3A_78, %dma_start3A_84] : memref<400000x32xf32, #tpu.memory_space<hbm>> -> memref<1800x32xf32, #tpu.memory_space<hbm>>
      %dma_start3A_86 = arith.constant 0 : i32
      %dma_start3A_87 = arith.constant 0 : i32
      %dma_start3A_88 = tpu.memref_slice %arg10[%dma_start3A_86, %dma_start3A_87] : memref<1800x32xf32, #tpu.memory_space<vmem>> -> memref<1800x32xf32, #tpu.memory_space<vmem>>
      tpu.enqueue_dma source(%dma_start3A_88 : memref<1800x32xf32, #tpu.memory_space<vmem>>) target(%dma_start3A_85 : memref<1800x32xf32, #tpu.memory_space<hbm>>) target_semaphore(%arg14 : memref<!tpu.dma_semaphore, #tpu.memory_space<semaphore_mem>>)
      %add3A_89 = arith.constant 0 : i32
      %add3A_90 = arith.addi %add3A_40, %add3A_89 : i32
      %dma_wait3A_91 = arith.constant 0 : i32
      %dma_wait3A_92 = arith.constant 0 : i32
      %dma_wait3A_93 = tpu.memref_slice %arg10[%dma_wait3A_91, %dma_wait3A_92] : memref<1800x32xf32, #tpu.memory_space<vmem>> -> memref<1800x32xf32, #tpu.memory_space<vmem>>
      %dma_wait3A_94 = arith.constant 0 : i32
      %dma_wait3A_95 = tpu.memref_slice %arg7[%add3A_90, %dma_wait3A_94] : memref<400000x32xf32, #tpu.memory_space<hbm>> -> memref<1800x32xf32, #tpu.memory_space<hbm>>
      %dma_wait3A_96 = arith.constant 0 : i32
      %dma_wait3A_97 = tpu.memref_slice %arg7[%add3A_90, %dma_wait3A_96] : memref<400000x32xf32, #tpu.memory_space<hbm>> -> memref<1800x32xf32, #tpu.memory_space<hbm>>
      %dma_wait3A_98 = arith.constant 0 : i32
      %dma_wait3A_99 = arith.constant 0 : i32
      %dma_wait3A_100 = tpu.memref_slice %arg10[%dma_wait3A_98, %dma_wait3A_99] : memref<1800x32xf32, #tpu.memory_space<vmem>> -> memref<1800x32xf32, #tpu.memory_space<vmem>>
      tpu.wait_dma2 semaphore(%arg14 : memref<!tpu.dma_semaphore, #tpu.memory_space<semaphore_mem>>) src(%dma_wait3A_100 : memref<1800x32xf32, #tpu.memory_space<vmem>>) dst(%dma_wait3A_97 : memref<1800x32xf32, #tpu.memory_space<hbm>>)
      %add3A_101 = arith.constant 3600 : i32
      %add3A_102 = arith.addi %add3A_40, %add3A_101 : i32
      %dma_start3A_103 = arith.constant 0 : i32
      %dma_start3A_104 = arith.constant 0 : i32
      %dma_start3A_105 = tpu.memref_slice %arg10[%dma_start3A_103, %dma_start3A_104] : memref<1800x32xf32, #tpu.memory_space<vmem>> -> memref<1800x32xf32, #tpu.memory_space<vmem>>
      %dma_start3A_106 = arith.constant 0 : i32
      %dma_start3A_107 = tpu.memref_slice %arg2[%add3A_102, %dma_start3A_106] : memref<400000x32xf32, #tpu.memory_space<hbm>> -> memref<1800x32xf32, #tpu.memory_space<hbm>>
      %dma_start3A_108 = arith.constant 0 : i32
      %dma_start3A_109 = arith.constant 0 : i32
      %dma_start3A_110 = tpu.memref_slice %arg10[%dma_start3A_108, %dma_start3A_109] : memref<1800x32xf32, #tpu.memory_space<vmem>> -> memref<1800x32xf32, #tpu.memory_space<vmem>>
      %dma_start3A_111 = arith.constant 0 : i32
      %dma_start3A_112 = tpu.memref_slice %arg2[%add3A_102, %dma_start3A_111] : memref<400000x32xf32, #tpu.memory_space<hbm>> -> memref<1800x32xf32, #tpu.memory_space<hbm>>
      tpu.enqueue_dma source(%dma_start3A_112 : memref<1800x32xf32, #tpu.memory_space<hbm>>) target(%dma_start3A_110 : memref<1800x32xf32, #tpu.memory_space<vmem>>) target_semaphore(%arg12 : memref<!tpu.dma_semaphore, #tpu.memory_space<semaphore_mem>>)
      %add3A_113 = arith.constant 1800 : i32
      %add3A_114 = arith.addi %add3A_40, %add3A_113 : i32
      %dma_wait3A_115 = arith.constant 0 : i32
      %dma_wait3A_116 = arith.constant 0 : i32
      %dma_wait3A_117 = tpu.memref_slice %arg11[%dma_wait3A_115, %dma_wait3A_116] : memref<1800x32xf32, #tpu.memory_space<vmem>> -> memref<1800x32xf32, #tpu.memory_space<vmem>>
      %dma_wait3A_118 = arith.constant 0 : i32
      %dma_wait3A_119 = tpu.memref_slice %arg2[%add3A_114, %dma_wait3A_118] : memref<400000x32xf32, #tpu.memory_space<hbm>> -> memref<1800x32xf32, #tpu.memory_space<hbm>>
      %dma_wait3A_120 = arith.constant 0 : i32
      %dma_wait3A_121 = arith.constant 0 : i32
      %dma_wait3A_122 = tpu.memref_slice %arg11[%dma_wait3A_120, %dma_wait3A_121] : memref<1800x32xf32, #tpu.memory_space<vmem>> -> memref<1800x32xf32, #tpu.memory_space<vmem>>
      %dma_wait3A_123 = arith.constant 0 : i32
      %dma_wait3A_124 = tpu.memref_slice %arg2[%add3A_114, %dma_wait3A_123] : memref<400000x32xf32, #tpu.memory_space<hbm>> -> memref<1800x32xf32, #tpu.memory_space<hbm>>
      tpu.wait_dma2 semaphore(%arg12 : memref<!tpu.dma_semaphore, #tpu.memory_space<semaphore_mem>>) src(%dma_wait3A_124 : memref<1800x32xf32, #tpu.memory_space<hbm>>) dst(%dma_wait3A_122 : memref<1800x32xf32, #tpu.memory_space<vmem>>)
      %add3A_125 = arith.constant 1800 : i32
      %add3A_126 = arith.addi %add3A_40, %add3A_125 : i32
      %dma_start3A_127 = arith.constant 0 : i32
      %dma_start3A_128 = arith.constant 0 : i32
      %dma_start3A_129 = tpu.memref_slice %arg11[%dma_start3A_127, %dma_start3A_128] : memref<1800x32xf32, #tpu.memory_space<vmem>> -> memref<1800x32xf32, #tpu.memory_space<vmem>>
      %dma_start3A_130 = arith.constant 0 : i32
      %dma_start3A_131 = tpu.memref_slice %arg7[%add3A_126, %dma_start3A_130] : memref<400000x32xf32, #tpu.memory_space<hbm>> -> memref<1800x32xf32, #tpu.memory_space<hbm>>
      %dma_start3A_132 = arith.constant 0 : i32
      %dma_start3A_133 = tpu.memref_slice %arg7[%add3A_126, %dma_start3A_132] : memref<400000x32xf32, #tpu.memory_space<hbm>> -> memref<1800x32xf32, #tpu.memory_space<hbm>>
      %dma_start3A_134 = arith.constant 0 : i32
      %dma_start3A_135 = arith.constant 0 : i32
      %dma_start3A_136 = tpu.memref_slice %arg11[%dma_start3A_134, %dma_start3A_135] : memref<1800x32xf32, #tpu.memory_space<vmem>> -> memref<1800x32xf32, #tpu.memory_space<vmem>>
      tpu.enqueue_dma source(%dma_start3A_136 : memref<1800x32xf32, #tpu.memory_space<vmem>>) target(%dma_start3A_133 : memref<1800x32xf32, #tpu.memory_space<hbm>>) target_semaphore(%arg14 : memref<!tpu.dma_semaphore, #tpu.memory_space<semaphore_mem>>)
      %add3A_137 = arith.constant 1800 : i32
      %add3A_138 = arith.addi %add3A_40, %add3A_137 : i32
      %dma_wait3A_139 = arith.constant 0 : i32
      %dma_wait3A_140 = arith.constant 0 : i32
      %dma_wait3A_141 = tpu.memref_slice %arg11[%dma_wait3A_139, %dma_wait3A_140] : memref<1800x32xf32, #tpu.memory_space<vmem>> -> memref<1800x32xf32, #tpu.memory_space<vmem>>
      %dma_wait3A_142 = arith.constant 0 : i32
      %dma_wait3A_143 = tpu.memref_slice %arg7[%add3A_138, %dma_wait3A_142] : memref<400000x32xf32, #tpu.memory_space<hbm>> -> memref<1800x32xf32, #tpu.memory_space<hbm>>
      %dma_wait3A_144 = arith.constant 0 : i32
      %dma_wait3A_145 = tpu.memref_slice %arg7[%add3A_138, %dma_wait3A_144] : memref<400000x32xf32, #tpu.memory_space<hbm>> -> memref<1800x32xf32, #tpu.memory_space<hbm>>
      %dma_wait3A_146 = arith.constant 0 : i32
      %dma_wait3A_147 = arith.constant 0 : i32
      %dma_wait3A_148 = tpu.memref_slice %arg11[%dma_wait3A_146, %dma_wait3A_147] : memref<1800x32xf32, #tpu.memory_space<vmem>> -> memref<1800x32xf32, #tpu.memory_space<vmem>>
      tpu.wait_dma2 semaphore(%arg14 : memref<!tpu.dma_semaphore, #tpu.memory_space<semaphore_mem>>) src(%dma_wait3A_148 : memref<1800x32xf32, #tpu.memory_space<vmem>>) dst(%dma_wait3A_145 : memref<1800x32xf32, #tpu.memory_space<hbm>>)
      %add3A_149 = arith.constant 5400 : i32
      %add3A_150 = arith.addi %add3A_40, %add3A_149 : i32
      %dma_start3A_151 = arith.constant 0 : i32
      %dma_start3A_152 = arith.constant 0 : i32
      %dma_start3A_153 = tpu.memref_slice %arg11[%dma_start3A_151, %dma_start3A_152] : memref<1800x32xf32, #tpu.memory_space<vmem>> -> memref<1800x32xf32, #tpu.memory_space<vmem>>
      %dma_start3A_154 = arith.constant 0 : i32
      %dma_start3A_155 = tpu.memref_slice %arg2[%add3A_150, %dma_start3A_154] : memref<400000x32xf32, #tpu.memory_space<hbm>> -> memref<1800x32xf32, #tpu.memory_space<hbm>>
      %dma_start3A_156 = arith.constant 0 : i32
      %dma_start3A_157 = arith.constant 0 : i32
      %dma_start3A_158 = tpu.memref_slice %arg11[%dma_start3A_156, %dma_start3A_157] : memref<1800x32xf32, #tpu.memory_space<vmem>> -> memref<1800x32xf32, #tpu.memory_space<vmem>>
      %dma_start3A_159 = arith.constant 0 : i32
      %dma_start3A_160 = tpu.memref_slice %arg2[%add3A_150, %dma_start3A_159] : memref<400000x32xf32, #tpu.memory_space<hbm>> -> memref<1800x32xf32, #tpu.memory_space<hbm>>
      tpu.enqueue_dma source(%dma_start3A_160 : memref<1800x32xf32, #tpu.memory_space<hbm>>) target(%dma_start3A_158 : memref<1800x32xf32, #tpu.memory_space<vmem>>) target_semaphore(%arg12 : memref<!tpu.dma_semaphore, #tpu.memory_space<semaphore_mem>>)
      %add3A_161 = arith.constant 3600 : i32
      %add3A_162 = arith.addi %add3A_40, %add3A_161 : i32
      %dma_wait3A_163 = arith.constant 0 : i32
      %dma_wait3A_164 = arith.constant 0 : i32
      %dma_wait3A_165 = tpu.memref_slice %arg10[%dma_wait3A_163, %dma_wait3A_164] : memref<1800x32xf32, #tpu.memory_space<vmem>> -> memref<1800x32xf32, #tpu.memory_space<vmem>>
      %dma_wait3A_166 = arith.constant 0 : i32
      %dma_wait3A_167 = tpu.memref_slice %arg2[%add3A_162, %dma_wait3A_166] : memref<400000x32xf32, #tpu.memory_space<hbm>> -> memref<1800x32xf32, #tpu.memory_space<hbm>>
      %dma_wait3A_168 = arith.constant 0 : i32
      %dma_wait3A_169 = arith.constant 0 : i32
      %dma_wait3A_170 = tpu.memref_slice %arg10[%dma_wait3A_168, %dma_wait3A_169] : memref<1800x32xf32, #tpu.memory_space<vmem>> -> memref<1800x32xf32, #tpu.memory_space<vmem>>
      %dma_wait3A_171 = arith.constant 0 : i32
      %dma_wait3A_172 = tpu.memref_slice %arg2[%add3A_162, %dma_wait3A_171] : memref<400000x32xf32, #tpu.memory_space<hbm>> -> memref<1800x32xf32, #tpu.memory_space<hbm>>
      tpu.wait_dma2 semaphore(%arg12 : memref<!tpu.dma_semaphore, #tpu.memory_space<semaphore_mem>>) src(%dma_wait3A_172 : memref<1800x32xf32, #tpu.memory_space<hbm>>) dst(%dma_wait3A_170 : memref<1800x32xf32, #tpu.memory_space<vmem>>)
      %add3A_173 = arith.constant 3600 : i32
      %add3A_174 = arith.addi %add3A_40, %add3A_173 : i32
      %dma_start3A_175 = arith.constant 0 : i32
      %dma_start3A_176 = arith.constant 0 : i32
      %dma_start3A_177 = tpu.memref_slice %arg10[%dma_start3A_175, %dma_start3A_176] : memref<1800x32xf32, #tpu.memory_space<vmem>> -> memref<1800x32xf32, #tpu.memory_space<vmem>>
      %dma_start3A_178 = arith.constant 0 : i32
      %dma_start3A_179 = tpu.memref_slice %arg7[%add3A_174, %dma_start3A_178] : memref<400000x32xf32, #tpu.memory_space<hbm>> -> memref<1800x32xf32, #tpu.memory_space<hbm>>
      %dma_start3A_180 = arith.constant 0 : i32
      %dma_start3A_181 = tpu.memref_slice %arg7[%add3A_174, %dma_start3A_180] : memref<400000x32xf32, #tpu.memory_space<hbm>> -> memref<1800x32xf32, #tpu.memory_space<hbm>>
      %dma_start3A_182 = arith.constant 0 : i32
      %dma_start3A_183 = arith.constant 0 : i32
      %dma_start3A_184 = tpu.memref_slice %arg10[%dma_start3A_182, %dma_start3A_183] : memref<1800x32xf32, #tpu.memory_space<vmem>> -> memref<1800x32xf32, #tpu.memory_space<vmem>>
      tpu.enqueue_dma source(%dma_start3A_184 : memref<1800x32xf32, #tpu.memory_space<vmem>>) target(%dma_start3A_181 : memref<1800x32xf32, #tpu.memory_space<hbm>>) target_semaphore(%arg14 : memref<!tpu.dma_semaphore, #tpu.memory_space<semaphore_mem>>)
      %add3A_185 = arith.constant 3600 : i32
      %add3A_186 = arith.addi %add3A_40, %add3A_185 : i32
      %dma_wait3A_187 = arith.constant 0 : i32
      %dma_wait3A_188 = arith.constant 0 : i32
      %dma_wait3A_189 = tpu.memref_slice %arg10[%dma_wait3A_187, %dma_wait3A_188] : memref<1800x32xf32, #tpu.memory_space<vmem>> -> memref<1800x32xf32, #tpu.memory_space<vmem>>
      %dma_wait3A_190 = arith.constant 0 : i32
      %dma_wait3A_191 = tpu.memref_slice %arg7[%add3A_186, %dma_wait3A_190] : memref<400000x32xf32, #tpu.memory_space<hbm>> -> memref<1800x32xf32, #tpu.memory_space<hbm>>
      %dma_wait3A_192 = arith.constant 0 : i32
      %dma_wait3A_193 = tpu.memref_slice %arg7[%add3A_186, %dma_wait3A_192] : memref<400000x32xf32, #tpu.memory_space<hbm>> -> memref<1800x32xf32, #tpu.memory_space<hbm>>
      %dma_wait3A_194 = arith.constant 0 : i32
      %dma_wait3A_195 = arith.constant 0 : i32
      %dma_wait3A_196 = tpu.memref_slice %arg10[%dma_wait3A_194, %dma_wait3A_195] : memref<1800x32xf32, #tpu.memory_space<vmem>> -> memref<1800x32xf32, #tpu.memory_space<vmem>>
      tpu.wait_dma2 semaphore(%arg14 : memref<!tpu.dma_semaphore, #tpu.memory_space<semaphore_mem>>) src(%dma_wait3A_196 : memref<1800x32xf32, #tpu.memory_space<vmem>>) dst(%dma_wait3A_193 : memref<1800x32xf32, #tpu.memory_space<hbm>>)
      %add3A_197 = arith.constant 7200 : i32
      %add3A_198 = arith.addi %add3A_40, %add3A_197 : i32
      %dma_start3A_199 = arith.constant 0 : i32
      %dma_start3A_200 = arith.constant 0 : i32
      %dma_start3A_201 = tpu.memref_slice %arg10[%dma_start3A_199, %dma_start3A_200] : memref<1800x32xf32, #tpu.memory_space<vmem>> -> memref<1680x32xf32, #tpu.memory_space<vmem>>
      %dma_start3A_202 = arith.constant 0 : i32
      %dma_start3A_203 = tpu.memref_slice %arg2[%add3A_198, %dma_start3A_202] : memref<400000x32xf32, #tpu.memory_space<hbm>> -> memref<1680x32xf32, #tpu.memory_space<hbm>>
      %dma_start3A_204 = arith.constant 0 : i32
      %dma_start3A_205 = arith.constant 0 : i32
      %dma_start3A_206 = tpu.memref_slice %arg10[%dma_start3A_204, %dma_start3A_205] : memref<1800x32xf32, #tpu.memory_space<vmem>> -> memref<1680x32xf32, #tpu.memory_space<vmem>>
      %dma_start3A_207 = arith.constant 0 : i32
      %dma_start3A_208 = tpu.memref_slice %arg2[%add3A_198, %dma_start3A_207] : memref<400000x32xf32, #tpu.memory_space<hbm>> -> memref<1680x32xf32, #tpu.memory_space<hbm>>
      tpu.enqueue_dma source(%dma_start3A_208 : memref<1680x32xf32, #tpu.memory_space<hbm>>) target(%dma_start3A_206 : memref<1680x32xf32, #tpu.memory_space<vmem>>) target_semaphore(%arg12 : memref<!tpu.dma_semaphore, #tpu.memory_space<semaphore_mem>>)
      %add3A_209 = arith.constant 5400 : i32
      %add3A_210 = arith.addi %add3A_40, %add3A_209 : i32
      %dma_wait3A_211 = arith.constant 0 : i32
      %dma_wait3A_212 = arith.constant 0 : i32
      %dma_wait3A_213 = tpu.memref_slice %arg11[%dma_wait3A_211, %dma_wait3A_212] : memref<1800x32xf32, #tpu.memory_space<vmem>> -> memref<1800x32xf32, #tpu.memory_space<vmem>>
      %dma_wait3A_214 = arith.constant 0 : i32
      %dma_wait3A_215 = tpu.memref_slice %arg2[%add3A_210, %dma_wait3A_214] : memref<400000x32xf32, #tpu.memory_space<hbm>> -> memref<1800x32xf32, #tpu.memory_space<hbm>>
      %dma_wait3A_216 = arith.constant 0 : i32
      %dma_wait3A_217 = arith.constant 0 : i32
      %dma_wait3A_218 = tpu.memref_slice %arg11[%dma_wait3A_216, %dma_wait3A_217] : memref<1800x32xf32, #tpu.memory_space<vmem>> -> memref<1800x32xf32, #tpu.memory_space<vmem>>
      %dma_wait3A_219 = arith.constant 0 : i32
      %dma_wait3A_220 = tpu.memref_slice %arg2[%add3A_210, %dma_wait3A_219] : memref<400000x32xf32, #tpu.memory_space<hbm>> -> memref<1800x32xf32, #tpu.memory_space<hbm>>
      tpu.wait_dma2 semaphore(%arg12 : memref<!tpu.dma_semaphore, #tpu.memory_space<semaphore_mem>>) src(%dma_wait3A_220 : memref<1800x32xf32, #tpu.memory_space<hbm>>) dst(%dma_wait3A_218 : memref<1800x32xf32, #tpu.memory_space<vmem>>)
      %add3A_221 = arith.constant 5400 : i32
      %add3A_222 = arith.addi %add3A_40, %add3A_221 : i32
      %dma_start3A_223 = arith.constant 0 : i32
      %dma_start3A_224 = arith.constant 0 : i32
      %dma_start3A_225 = tpu.memref_slice %arg11[%dma_start3A_223, %dma_start3A_224] : memref<1800x32xf32, #tpu.memory_space<vmem>> -> memref<1800x32xf32, #tpu.memory_space<vmem>>
      %dma_start3A_226 = arith.constant 0 : i32
      %dma_start3A_227 = tpu.memref_slice %arg7[%add3A_222, %dma_start3A_226] : memref<400000x32xf32, #tpu.memory_space<hbm>> -> memref<1800x32xf32, #tpu.memory_space<hbm>>
      %dma_start3A_228 = arith.constant 0 : i32
      %dma_start3A_229 = tpu.memref_slice %arg7[%add3A_222, %dma_start3A_228] : memref<400000x32xf32, #tpu.memory_space<hbm>> -> memref<1800x32xf32, #tpu.memory_space<hbm>>
      %dma_start3A_230 = arith.constant 0 : i32
      %dma_start3A_231 = arith.constant 0 : i32
      %dma_start3A_232 = tpu.memref_slice %arg11[%dma_start3A_230, %dma_start3A_231] : memref<1800x32xf32, #tpu.memory_space<vmem>> -> memref<1800x32xf32, #tpu.memory_space<vmem>>
      tpu.enqueue_dma source(%dma_start3A_232 : memref<1800x32xf32, #tpu.memory_space<vmem>>) target(%dma_start3A_229 : memref<1800x32xf32, #tpu.memory_space<hbm>>) target_semaphore(%arg14 : memref<!tpu.dma_semaphore, #tpu.memory_space<semaphore_mem>>)
      %add3A_233 = arith.constant 5400 : i32
      %add3A_234 = arith.addi %add3A_40, %add3A_233 : i32
      %dma_wait3A_235 = arith.constant 0 : i32
      %dma_wait3A_236 = arith.constant 0 : i32
      %dma_wait3A_237 = tpu.memref_slice %arg11[%dma_wait3A_235, %dma_wait3A_236] : memref<1800x32xf32, #tpu.memory_space<vmem>> -> memref<1800x32xf32, #tpu.memory_space<vmem>>
      %dma_wait3A_238 = arith.constant 0 : i32
      %dma_wait3A_239 = tpu.memref_slice %arg7[%add3A_234, %dma_wait3A_238] : memref<400000x32xf32, #tpu.memory_space<hbm>> -> memref<1800x32xf32, #tpu.memory_space<hbm>>
      %dma_wait3A_240 = arith.constant 0 : i32
      %dma_wait3A_241 = tpu.memref_slice %arg7[%add3A_234, %dma_wait3A_240] : memref<400000x32xf32, #tpu.memory_space<hbm>> -> memref<1800x32xf32, #tpu.memory_space<hbm>>
      %dma_wait3A_242 = arith.constant 0 : i32
      %dma_wait3A_243 = arith.constant 0 : i32
      %dma_wait3A_244 = tpu.memref_slice %arg11[%dma_wait3A_242, %dma_wait3A_243] : memref<1800x32xf32, #tpu.memory_space<vmem>> -> memref<1800x32xf32, #tpu.memory_space<vmem>>
      tpu.wait_dma2 semaphore(%arg14 : memref<!tpu.dma_semaphore, #tpu.memory_space<semaphore_mem>>) src(%dma_wait3A_244 : memref<1800x32xf32, #tpu.memory_space<vmem>>) dst(%dma_wait3A_241 : memref<1800x32xf32, #tpu.memory_space<hbm>>)
      %add3A_245 = arith.constant 7200 : i32
      %add3A_246 = arith.addi %add3A_40, %add3A_245 : i32
      %dma_wait3A_247 = arith.constant 0 : i32
      %dma_wait3A_248 = arith.constant 0 : i32
      %dma_wait3A_249 = tpu.memref_slice %arg10[%dma_wait3A_247, %dma_wait3A_248] : memref<1800x32xf32, #tpu.memory_space<vmem>> -> memref<1680x32xf32, #tpu.memory_space<vmem>>
      %dma_wait3A_250 = arith.constant 0 : i32
      %dma_wait3A_251 = tpu.memref_slice %arg2[%add3A_246, %dma_wait3A_250] : memref<400000x32xf32, #tpu.memory_space<hbm>> -> memref<1680x32xf32, #tpu.memory_space<hbm>>
      %dma_wait3A_252 = arith.constant 0 : i32
      %dma_wait3A_253 = arith.constant 0 : i32
      %dma_wait3A_254 = tpu.memref_slice %arg10[%dma_wait3A_252, %dma_wait3A_253] : memref<1800x32xf32, #tpu.memory_space<vmem>> -> memref<1680x32xf32, #tpu.memory_space<vmem>>
      %dma_wait3A_255 = arith.constant 0 : i32
      %dma_wait3A_256 = tpu.memref_slice %arg2[%add3A_246, %dma_wait3A_255] : memref<400000x32xf32, #tpu.memory_space<hbm>> -> memref<1680x32xf32, #tpu.memory_space<hbm>>
      tpu.wait_dma2 semaphore(%arg12 : memref<!tpu.dma_semaphore, #tpu.memory_space<semaphore_mem>>) src(%dma_wait3A_256 : memref<1680x32xf32, #tpu.memory_space<hbm>>) dst(%dma_wait3A_254 : memref<1680x32xf32, #tpu.memory_space<vmem>>)
      %add3A_257 = arith.constant 7200 : i32
      %add3A_258 = arith.addi %add3A_40, %add3A_257 : i32
      %dma_start3A_259 = arith.constant 0 : i32
      %dma_start3A_260 = arith.constant 0 : i32
      %dma_start3A_261 = tpu.memref_slice %arg10[%dma_start3A_259, %dma_start3A_260] : memref<1800x32xf32, #tpu.memory_space<vmem>> -> memref<1680x32xf32, #tpu.memory_space<vmem>>
      %dma_start3A_262 = arith.constant 0 : i32
      %dma_start3A_263 = tpu.memref_slice %arg7[%add3A_258, %dma_start3A_262] : memref<400000x32xf32, #tpu.memory_space<hbm>> -> memref<1680x32xf32, #tpu.memory_space<hbm>>
      %dma_start3A_264 = arith.constant 0 : i32
      %dma_start3A_265 = tpu.memref_slice %arg7[%add3A_258, %dma_start3A_264] : memref<400000x32xf32, #tpu.memory_space<hbm>> -> memref<1680x32xf32, #tpu.memory_space<hbm>>
      %dma_start3A_266 = arith.constant 0 : i32
      %dma_start3A_267 = arith.constant 0 : i32
      %dma_start3A_268 = tpu.memref_slice %arg10[%dma_start3A_266, %dma_start3A_267] : memref<1800x32xf32, #tpu.memory_space<vmem>> -> memref<1680x32xf32, #tpu.memory_space<vmem>>
      tpu.enqueue_dma source(%dma_start3A_268 : memref<1680x32xf32, #tpu.memory_space<vmem>>) target(%dma_start3A_265 : memref<1680x32xf32, #tpu.memory_space<hbm>>) target_semaphore(%arg14 : memref<!tpu.dma_semaphore, #tpu.memory_space<semaphore_mem>>)
      %add3A_269 = arith.constant 7200 : i32
      %add3A_270 = arith.addi %add3A_40, %add3A_269 : i32
      %dma_wait3A_271 = arith.constant 0 : i32
      %dma_wait3A_272 = arith.constant 0 : i32
      %dma_wait3A_273 = tpu.memref_slice %arg10[%dma_wait3A_271, %dma_wait3A_272] : memref<1800x32xf32, #tpu.memory_space<vmem>> -> memref<1680x32xf32, #tpu.memory_space<vmem>>
      %dma_wait3A_274 = arith.constant 0 : i32
      %dma_wait3A_275 = tpu.memref_slice %arg7[%add3A_270, %dma_wait3A_274] : memref<400000x32xf32, #tpu.memory_space<hbm>> -> memref<1680x32xf32, #tpu.memory_space<hbm>>
      %dma_wait3A_276 = arith.constant 0 : i32
      %dma_wait3A_277 = tpu.memref_slice %arg7[%add3A_270, %dma_wait3A_276] : memref<400000x32xf32, #tpu.memory_space<hbm>> -> memref<1680x32xf32, #tpu.memory_space<hbm>>
      %dma_wait3A_278 = arith.constant 0 : i32
      %dma_wait3A_279 = arith.constant 0 : i32
      %dma_wait3A_280 = tpu.memref_slice %arg10[%dma_wait3A_278, %dma_wait3A_279] : memref<1800x32xf32, #tpu.memory_space<vmem>> -> memref<1680x32xf32, #tpu.memory_space<vmem>>
      tpu.wait_dma2 semaphore(%arg14 : memref<!tpu.dma_semaphore, #tpu.memory_space<semaphore_mem>>) src(%dma_wait3A_280 : memref<1680x32xf32, #tpu.memory_space<vmem>>) dst(%dma_wait3A_277 : memref<1680x32xf32, #tpu.memory_space<hbm>>)
    } else {
    }
    %ge3A = arith.constant 12 : i32
    %ge3A_3 = arith.cmpi sge, %add3A, %ge3A : i32
    %convert_element_type3A_4 = arith.extui %ge3A_3 : i1 to i32
    %cond3A_5 = arith.constant 0 : i32
    %cond3A_6 = arith.cmpi ne, %convert_element_type3A_4, %cond3A_5 : i32
    scf.if %cond3A_6 {
      %sub3A = arith.constant 12 : i32
      %sub3A_37 = arith.subi %add3A, %sub3A : i32
      %mul3A_38 = arith.constant 8872 : i32
      %mul3A_39 = arith.muli %sub3A_37, %mul3A_38 : i32
      %add3A_40 = arith.constant 222560 : i32
      %add3A_41 = arith.addi %add3A_40, %mul3A_39 : i32
      %add3A_42 = arith.constant 0 : i32
      %add3A_43 = arith.addi %add3A_41, %add3A_42 : i32
      %dma_start3A_44 = arith.constant 0 : i32
      %dma_start3A_45 = arith.constant 0 : i32
      %dma_start3A_46 = tpu.memref_slice %arg10[%dma_start3A_44, %dma_start3A_45] : memref<1800x32xf32, #tpu.memory_space<vmem>> -> memref<1800x32xf32, #tpu.memory_space<vmem>>
      %dma_start3A_47 = arith.constant 0 : i32
      %dma_start3A_48 = tpu.memref_slice %arg2[%add3A_43, %dma_start3A_47] : memref<400000x32xf32, #tpu.memory_space<hbm>> -> memref<1800x32xf32, #tpu.memory_space<hbm>>
      %dma_start3A_49 = arith.constant 0 : i32
      %dma_start3A_50 = arith.constant 0 : i32
      %dma_start3A_51 = tpu.memref_slice %arg10[%dma_start3A_49, %dma_start3A_50] : memref<1800x32xf32, #tpu.memory_space<vmem>> -> memref<1800x32xf32, #tpu.memory_space<vmem>>
      %dma_start3A_52 = arith.constant 0 : i32
      %dma_start3A_53 = tpu.memref_slice %arg2[%add3A_43, %dma_start3A_52] : memref<400000x32xf32, #tpu.memory_space<hbm>> -> memref<1800x32xf32, #tpu.memory_space<hbm>>
      tpu.enqueue_dma source(%dma_start3A_53 : memref<1800x32xf32, #tpu.memory_space<hbm>>) target(%dma_start3A_51 : memref<1800x32xf32, #tpu.memory_space<vmem>>) target_semaphore(%arg12 : memref<!tpu.dma_semaphore, #tpu.memory_space<semaphore_mem>>)
      %add3A_54 = arith.constant 1800 : i32
      %add3A_55 = arith.addi %add3A_41, %add3A_54 : i32
      %dma_start3A_56 = arith.constant 0 : i32
      %dma_start3A_57 = arith.constant 0 : i32
      %dma_start3A_58 = tpu.memref_slice %arg11[%dma_start3A_56, %dma_start3A_57] : memref<1800x32xf32, #tpu.memory_space<vmem>> -> memref<1800x32xf32, #tpu.memory_space<vmem>>
      %dma_start3A_59 = arith.constant 0 : i32
      %dma_start3A_60 = tpu.memref_slice %arg2[%add3A_55, %dma_start3A_59] : memref<400000x32xf32, #tpu.memory_space<hbm>> -> memref<1800x32xf32, #tpu.memory_space<hbm>>
      %dma_start3A_61 = arith.constant 0 : i32
      %dma_start3A_62 = arith.constant 0 : i32
      %dma_start3A_63 = tpu.memref_slice %arg11[%dma_start3A_61, %dma_start3A_62] : memref<1800x32xf32, #tpu.memory_space<vmem>> -> memref<1800x32xf32, #tpu.memory_space<vmem>>
      %dma_start3A_64 = arith.constant 0 : i32
      %dma_start3A_65 = tpu.memref_slice %arg2[%add3A_55, %dma_start3A_64] : memref<400000x32xf32, #tpu.memory_space<hbm>> -> memref<1800x32xf32, #tpu.memory_space<hbm>>
      tpu.enqueue_dma source(%dma_start3A_65 : memref<1800x32xf32, #tpu.memory_space<hbm>>) target(%dma_start3A_63 : memref<1800x32xf32, #tpu.memory_space<vmem>>) target_semaphore(%arg12 : memref<!tpu.dma_semaphore, #tpu.memory_space<semaphore_mem>>)
      %add3A_66 = arith.constant 0 : i32
      %add3A_67 = arith.addi %add3A_41, %add3A_66 : i32
      %dma_wait3A_68 = arith.constant 0 : i32
      %dma_wait3A_69 = arith.constant 0 : i32
      %dma_wait3A_70 = tpu.memref_slice %arg10[%dma_wait3A_68, %dma_wait3A_69] : memref<1800x32xf32, #tpu.memory_space<vmem>> -> memref<1800x32xf32, #tpu.memory_space<vmem>>
      %dma_wait3A_71 = arith.constant 0 : i32
      %dma_wait3A_72 = tpu.memref_slice %arg2[%add3A_67, %dma_wait3A_71] : memref<400000x32xf32, #tpu.memory_space<hbm>> -> memref<1800x32xf32, #tpu.memory_space<hbm>>
      %dma_wait3A_73 = arith.constant 0 : i32
      %dma_wait3A_74 = arith.constant 0 : i32
      %dma_wait3A_75 = tpu.memref_slice %arg10[%dma_wait3A_73, %dma_wait3A_74] : memref<1800x32xf32, #tpu.memory_space<vmem>> -> memref<1800x32xf32, #tpu.memory_space<vmem>>
      %dma_wait3A_76 = arith.constant 0 : i32
      %dma_wait3A_77 = tpu.memref_slice %arg2[%add3A_67, %dma_wait3A_76] : memref<400000x32xf32, #tpu.memory_space<hbm>> -> memref<1800x32xf32, #tpu.memory_space<hbm>>
      tpu.wait_dma2 semaphore(%arg12 : memref<!tpu.dma_semaphore, #tpu.memory_space<semaphore_mem>>) src(%dma_wait3A_77 : memref<1800x32xf32, #tpu.memory_space<hbm>>) dst(%dma_wait3A_75 : memref<1800x32xf32, #tpu.memory_space<vmem>>)
      %add3A_78 = arith.constant 0 : i32
      %add3A_79 = arith.addi %add3A_41, %add3A_78 : i32
      %dma_start3A_80 = arith.constant 0 : i32
      %dma_start3A_81 = arith.constant 0 : i32
      %dma_start3A_82 = tpu.memref_slice %arg10[%dma_start3A_80, %dma_start3A_81] : memref<1800x32xf32, #tpu.memory_space<vmem>> -> memref<1800x32xf32, #tpu.memory_space<vmem>>
      %dma_start3A_83 = arith.constant 0 : i32
      %dma_start3A_84 = tpu.memref_slice %arg7[%add3A_79, %dma_start3A_83] : memref<400000x32xf32, #tpu.memory_space<hbm>> -> memref<1800x32xf32, #tpu.memory_space<hbm>>
      %dma_start3A_85 = arith.constant 0 : i32
      %dma_start3A_86 = tpu.memref_slice %arg7[%add3A_79, %dma_start3A_85] : memref<400000x32xf32, #tpu.memory_space<hbm>> -> memref<1800x32xf32, #tpu.memory_space<hbm>>
      %dma_start3A_87 = arith.constant 0 : i32
      %dma_start3A_88 = arith.constant 0 : i32
      %dma_start3A_89 = tpu.memref_slice %arg10[%dma_start3A_87, %dma_start3A_88] : memref<1800x32xf32, #tpu.memory_space<vmem>> -> memref<1800x32xf32, #tpu.memory_space<vmem>>
      tpu.enqueue_dma source(%dma_start3A_89 : memref<1800x32xf32, #tpu.memory_space<vmem>>) target(%dma_start3A_86 : memref<1800x32xf32, #tpu.memory_space<hbm>>) target_semaphore(%arg14 : memref<!tpu.dma_semaphore, #tpu.memory_space<semaphore_mem>>)
      %add3A_90 = arith.constant 0 : i32
      %add3A_91 = arith.addi %add3A_41, %add3A_90 : i32
      %dma_wait3A_92 = arith.constant 0 : i32
      %dma_wait3A_93 = arith.constant 0 : i32
      %dma_wait3A_94 = tpu.memref_slice %arg10[%dma_wait3A_92, %dma_wait3A_93] : memref<1800x32xf32, #tpu.memory_space<vmem>> -> memref<1800x32xf32, #tpu.memory_space<vmem>>
      %dma_wait3A_95 = arith.constant 0 : i32
      %dma_wait3A_96 = tpu.memref_slice %arg7[%add3A_91, %dma_wait3A_95] : memref<400000x32xf32, #tpu.memory_space<hbm>> -> memref<1800x32xf32, #tpu.memory_space<hbm>>
      %dma_wait3A_97 = arith.constant 0 : i32
      %dma_wait3A_98 = tpu.memref_slice %arg7[%add3A_91, %dma_wait3A_97] : memref<400000x32xf32, #tpu.memory_space<hbm>> -> memref<1800x32xf32, #tpu.memory_space<hbm>>
      %dma_wait3A_99 = arith.constant 0 : i32
      %dma_wait3A_100 = arith.constant 0 : i32
      %dma_wait3A_101 = tpu.memref_slice %arg10[%dma_wait3A_99, %dma_wait3A_100] : memref<1800x32xf32, #tpu.memory_space<vmem>> -> memref<1800x32xf32, #tpu.memory_space<vmem>>
      tpu.wait_dma2 semaphore(%arg14 : memref<!tpu.dma_semaphore, #tpu.memory_space<semaphore_mem>>) src(%dma_wait3A_101 : memref<1800x32xf32, #tpu.memory_space<vmem>>) dst(%dma_wait3A_98 : memref<1800x32xf32, #tpu.memory_space<hbm>>)
      %add3A_102 = arith.constant 3600 : i32
      %add3A_103 = arith.addi %add3A_41, %add3A_102 : i32
      %dma_start3A_104 = arith.constant 0 : i32
      %dma_start3A_105 = arith.constant 0 : i32
      %dma_start3A_106 = tpu.memref_slice %arg10[%dma_start3A_104, %dma_start3A_105] : memref<1800x32xf32, #tpu.memory_space<vmem>> -> memref<1800x32xf32, #tpu.memory_space<vmem>>
      %dma_start3A_107 = arith.constant 0 : i32
      %dma_start3A_108 = tpu.memref_slice %arg2[%add3A_103, %dma_start3A_107] : memref<400000x32xf32, #tpu.memory_space<hbm>> -> memref<1800x32xf32, #tpu.memory_space<hbm>>
      %dma_start3A_109 = arith.constant 0 : i32
      %dma_start3A_110 = arith.constant 0 : i32
      %dma_start3A_111 = tpu.memref_slice %arg10[%dma_start3A_109, %dma_start3A_110] : memref<1800x32xf32, #tpu.memory_space<vmem>> -> memref<1800x32xf32, #tpu.memory_space<vmem>>
      %dma_start3A_112 = arith.constant 0 : i32
      %dma_start3A_113 = tpu.memref_slice %arg2[%add3A_103, %dma_start3A_112] : memref<400000x32xf32, #tpu.memory_space<hbm>> -> memref<1800x32xf32, #tpu.memory_space<hbm>>
      tpu.enqueue_dma source(%dma_start3A_113 : memref<1800x32xf32, #tpu.memory_space<hbm>>) target(%dma_start3A_111 : memref<1800x32xf32, #tpu.memory_space<vmem>>) target_semaphore(%arg12 : memref<!tpu.dma_semaphore, #tpu.memory_space<semaphore_mem>>)
      %add3A_114 = arith.constant 1800 : i32
      %add3A_115 = arith.addi %add3A_41, %add3A_114 : i32
      %dma_wait3A_116 = arith.constant 0 : i32
      %dma_wait3A_117 = arith.constant 0 : i32
      %dma_wait3A_118 = tpu.memref_slice %arg11[%dma_wait3A_116, %dma_wait3A_117] : memref<1800x32xf32, #tpu.memory_space<vmem>> -> memref<1800x32xf32, #tpu.memory_space<vmem>>
      %dma_wait3A_119 = arith.constant 0 : i32
      %dma_wait3A_120 = tpu.memref_slice %arg2[%add3A_115, %dma_wait3A_119] : memref<400000x32xf32, #tpu.memory_space<hbm>> -> memref<1800x32xf32, #tpu.memory_space<hbm>>
      %dma_wait3A_121 = arith.constant 0 : i32
      %dma_wait3A_122 = arith.constant 0 : i32
      %dma_wait3A_123 = tpu.memref_slice %arg11[%dma_wait3A_121, %dma_wait3A_122] : memref<1800x32xf32, #tpu.memory_space<vmem>> -> memref<1800x32xf32, #tpu.memory_space<vmem>>
      %dma_wait3A_124 = arith.constant 0 : i32
      %dma_wait3A_125 = tpu.memref_slice %arg2[%add3A_115, %dma_wait3A_124] : memref<400000x32xf32, #tpu.memory_space<hbm>> -> memref<1800x32xf32, #tpu.memory_space<hbm>>
      tpu.wait_dma2 semaphore(%arg12 : memref<!tpu.dma_semaphore, #tpu.memory_space<semaphore_mem>>) src(%dma_wait3A_125 : memref<1800x32xf32, #tpu.memory_space<hbm>>) dst(%dma_wait3A_123 : memref<1800x32xf32, #tpu.memory_space<vmem>>)
      %add3A_126 = arith.constant 1800 : i32
      %add3A_127 = arith.addi %add3A_41, %add3A_126 : i32
      %dma_start3A_128 = arith.constant 0 : i32
      %dma_start3A_129 = arith.constant 0 : i32
      %dma_start3A_130 = tpu.memref_slice %arg11[%dma_start3A_128, %dma_start3A_129] : memref<1800x32xf32, #tpu.memory_space<vmem>> -> memref<1800x32xf32, #tpu.memory_space<vmem>>
      %dma_start3A_131 = arith.constant 0 : i32
      %dma_start3A_132 = tpu.memref_slice %arg7[%add3A_127, %dma_start3A_131] : memref<400000x32xf32, #tpu.memory_space<hbm>> -> memref<1800x32xf32, #tpu.memory_space<hbm>>
      %dma_start3A_133 = arith.constant 0 : i32
      %dma_start3A_134 = tpu.memref_slice %arg7[%add3A_127, %dma_start3A_133] : memref<400000x32xf32, #tpu.memory_space<hbm>> -> memref<1800x32xf32, #tpu.memory_space<hbm>>
      %dma_start3A_135 = arith.constant 0 : i32
      %dma_start3A_136 = arith.constant 0 : i32
      %dma_start3A_137 = tpu.memref_slice %arg11[%dma_start3A_135, %dma_start3A_136] : memref<1800x32xf32, #tpu.memory_space<vmem>> -> memref<1800x32xf32, #tpu.memory_space<vmem>>
      tpu.enqueue_dma source(%dma_start3A_137 : memref<1800x32xf32, #tpu.memory_space<vmem>>) target(%dma_start3A_134 : memref<1800x32xf32, #tpu.memory_space<hbm>>) target_semaphore(%arg14 : memref<!tpu.dma_semaphore, #tpu.memory_space<semaphore_mem>>)
      %add3A_138 = arith.constant 1800 : i32
      %add3A_139 = arith.addi %add3A_41, %add3A_138 : i32
      %dma_wait3A_140 = arith.constant 0 : i32
      %dma_wait3A_141 = arith.constant 0 : i32
      %dma_wait3A_142 = tpu.memref_slice %arg11[%dma_wait3A_140, %dma_wait3A_141] : memref<1800x32xf32, #tpu.memory_space<vmem>> -> memref<1800x32xf32, #tpu.memory_space<vmem>>
      %dma_wait3A_143 = arith.constant 0 : i32
      %dma_wait3A_144 = tpu.memref_slice %arg7[%add3A_139, %dma_wait3A_143] : memref<400000x32xf32, #tpu.memory_space<hbm>> -> memref<1800x32xf32, #tpu.memory_space<hbm>>
      %dma_wait3A_145 = arith.constant 0 : i32
      %dma_wait3A_146 = tpu.memref_slice %arg7[%add3A_139, %dma_wait3A_145] : memref<400000x32xf32, #tpu.memory_space<hbm>> -> memref<1800x32xf32, #tpu.memory_space<hbm>>
      %dma_wait3A_147 = arith.constant 0 : i32
      %dma_wait3A_148 = arith.constant 0 : i32
      %dma_wait3A_149 = tpu.memref_slice %arg11[%dma_wait3A_147, %dma_wait3A_148] : memref<1800x32xf32, #tpu.memory_space<vmem>> -> memref<1800x32xf32, #tpu.memory_space<vmem>>
      tpu.wait_dma2 semaphore(%arg14 : memref<!tpu.dma_semaphore, #tpu.memory_space<semaphore_mem>>) src(%dma_wait3A_149 : memref<1800x32xf32, #tpu.memory_space<vmem>>) dst(%dma_wait3A_146 : memref<1800x32xf32, #tpu.memory_space<hbm>>)
      %add3A_150 = arith.constant 5400 : i32
      %add3A_151 = arith.addi %add3A_41, %add3A_150 : i32
      %dma_start3A_152 = arith.constant 0 : i32
      %dma_start3A_153 = arith.constant 0 : i32
      %dma_start3A_154 = tpu.memref_slice %arg11[%dma_start3A_152, %dma_start3A_153] : memref<1800x32xf32, #tpu.memory_space<vmem>> -> memref<1800x32xf32, #tpu.memory_space<vmem>>
      %dma_start3A_155 = arith.constant 0 : i32
      %dma_start3A_156 = tpu.memref_slice %arg2[%add3A_151, %dma_start3A_155] : memref<400000x32xf32, #tpu.memory_space<hbm>> -> memref<1800x32xf32, #tpu.memory_space<hbm>>
      %dma_start3A_157 = arith.constant 0 : i32
      %dma_start3A_158 = arith.constant 0 : i32
      %dma_start3A_159 = tpu.memref_slice %arg11[%dma_start3A_157, %dma_start3A_158] : memref<1800x32xf32, #tpu.memory_space<vmem>> -> memref<1800x32xf32, #tpu.memory_space<vmem>>
      %dma_start3A_160 = arith.constant 0 : i32
      %dma_start3A_161 = tpu.memref_slice %arg2[%add3A_151, %dma_start3A_160] : memref<400000x32xf32, #tpu.memory_space<hbm>> -> memref<1800x32xf32, #tpu.memory_space<hbm>>
      tpu.enqueue_dma source(%dma_start3A_161 : memref<1800x32xf32, #tpu.memory_space<hbm>>) target(%dma_start3A_159 : memref<1800x32xf32, #tpu.memory_space<vmem>>) target_semaphore(%arg12 : memref<!tpu.dma_semaphore, #tpu.memory_space<semaphore_mem>>)
      %add3A_162 = arith.constant 3600 : i32
      %add3A_163 = arith.addi %add3A_41, %add3A_162 : i32
      %dma_wait3A_164 = arith.constant 0 : i32
      %dma_wait3A_165 = arith.constant 0 : i32
      %dma_wait3A_166 = tpu.memref_slice %arg10[%dma_wait3A_164, %dma_wait3A_165] : memref<1800x32xf32, #tpu.memory_space<vmem>> -> memref<1800x32xf32, #tpu.memory_space<vmem>>
      %dma_wait3A_167 = arith.constant 0 : i32
      %dma_wait3A_168 = tpu.memref_slice %arg2[%add3A_163, %dma_wait3A_167] : memref<400000x32xf32, #tpu.memory_space<hbm>> -> memref<1800x32xf32, #tpu.memory_space<hbm>>
      %dma_wait3A_169 = arith.constant 0 : i32
      %dma_wait3A_170 = arith.constant 0 : i32
      %dma_wait3A_171 = tpu.memref_slice %arg10[%dma_wait3A_169, %dma_wait3A_170] : memref<1800x32xf32, #tpu.memory_space<vmem>> -> memref<1800x32xf32, #tpu.memory_space<vmem>>
      %dma_wait3A_172 = arith.constant 0 : i32
      %dma_wait3A_173 = tpu.memref_slice %arg2[%add3A_163, %dma_wait3A_172] : memref<400000x32xf32, #tpu.memory_space<hbm>> -> memref<1800x32xf32, #tpu.memory_space<hbm>>
      tpu.wait_dma2 semaphore(%arg12 : memref<!tpu.dma_semaphore, #tpu.memory_space<semaphore_mem>>) src(%dma_wait3A_173 : memref<1800x32xf32, #tpu.memory_space<hbm>>) dst(%dma_wait3A_171 : memref<1800x32xf32, #tpu.memory_space<vmem>>)
      %add3A_174 = arith.constant 3600 : i32
      %add3A_175 = arith.addi %add3A_41, %add3A_174 : i32
      %dma_start3A_176 = arith.constant 0 : i32
      %dma_start3A_177 = arith.constant 0 : i32
      %dma_start3A_178 = tpu.memref_slice %arg10[%dma_start3A_176, %dma_start3A_177] : memref<1800x32xf32, #tpu.memory_space<vmem>> -> memref<1800x32xf32, #tpu.memory_space<vmem>>
      %dma_start3A_179 = arith.constant 0 : i32
      %dma_start3A_180 = tpu.memref_slice %arg7[%add3A_175, %dma_start3A_179] : memref<400000x32xf32, #tpu.memory_space<hbm>> -> memref<1800x32xf32, #tpu.memory_space<hbm>>
      %dma_start3A_181 = arith.constant 0 : i32
      %dma_start3A_182 = tpu.memref_slice %arg7[%add3A_175, %dma_start3A_181] : memref<400000x32xf32, #tpu.memory_space<hbm>> -> memref<1800x32xf32, #tpu.memory_space<hbm>>
      %dma_start3A_183 = arith.constant 0 : i32
      %dma_start3A_184 = arith.constant 0 : i32
      %dma_start3A_185 = tpu.memref_slice %arg10[%dma_start3A_183, %dma_start3A_184] : memref<1800x32xf32, #tpu.memory_space<vmem>> -> memref<1800x32xf32, #tpu.memory_space<vmem>>
      tpu.enqueue_dma source(%dma_start3A_185 : memref<1800x32xf32, #tpu.memory_space<vmem>>) target(%dma_start3A_182 : memref<1800x32xf32, #tpu.memory_space<hbm>>) target_semaphore(%arg14 : memref<!tpu.dma_semaphore, #tpu.memory_space<semaphore_mem>>)
      %add3A_186 = arith.constant 3600 : i32
      %add3A_187 = arith.addi %add3A_41, %add3A_186 : i32
      %dma_wait3A_188 = arith.constant 0 : i32
      %dma_wait3A_189 = arith.constant 0 : i32
      %dma_wait3A_190 = tpu.memref_slice %arg10[%dma_wait3A_188, %dma_wait3A_189] : memref<1800x32xf32, #tpu.memory_space<vmem>> -> memref<1800x32xf32, #tpu.memory_space<vmem>>
      %dma_wait3A_191 = arith.constant 0 : i32
      %dma_wait3A_192 = tpu.memref_slice %arg7[%add3A_187, %dma_wait3A_191] : memref<400000x32xf32, #tpu.memory_space<hbm>> -> memref<1800x32xf32, #tpu.memory_space<hbm>>
      %dma_wait3A_193 = arith.constant 0 : i32
      %dma_wait3A_194 = tpu.memref_slice %arg7[%add3A_187, %dma_wait3A_193] : memref<400000x32xf32, #tpu.memory_space<hbm>> -> memref<1800x32xf32, #tpu.memory_space<hbm>>
      %dma_wait3A_195 = arith.constant 0 : i32
      %dma_wait3A_196 = arith.constant 0 : i32
      %dma_wait3A_197 = tpu.memref_slice %arg10[%dma_wait3A_195, %dma_wait3A_196] : memref<1800x32xf32, #tpu.memory_space<vmem>> -> memref<1800x32xf32, #tpu.memory_space<vmem>>
      tpu.wait_dma2 semaphore(%arg14 : memref<!tpu.dma_semaphore, #tpu.memory_space<semaphore_mem>>) src(%dma_wait3A_197 : memref<1800x32xf32, #tpu.memory_space<vmem>>) dst(%dma_wait3A_194 : memref<1800x32xf32, #tpu.memory_space<hbm>>)
      %add3A_198 = arith.constant 7200 : i32
      %add3A_199 = arith.addi %add3A_41, %add3A_198 : i32
      %dma_start3A_200 = arith.constant 0 : i32
      %dma_start3A_201 = arith.constant 0 : i32
      %dma_start3A_202 = tpu.memref_slice %arg10[%dma_start3A_200, %dma_start3A_201] : memref<1800x32xf32, #tpu.memory_space<vmem>> -> memref<1672x32xf32, #tpu.memory_space<vmem>>
      %dma_start3A_203 = arith.constant 0 : i32
      %dma_start3A_204 = tpu.memref_slice %arg2[%add3A_199, %dma_start3A_203] : memref<400000x32xf32, #tpu.memory_space<hbm>> -> memref<1672x32xf32, #tpu.memory_space<hbm>>
      %dma_start3A_205 = arith.constant 0 : i32
      %dma_start3A_206 = arith.constant 0 : i32
      %dma_start3A_207 = tpu.memref_slice %arg10[%dma_start3A_205, %dma_start3A_206] : memref<1800x32xf32, #tpu.memory_space<vmem>> -> memref<1672x32xf32, #tpu.memory_space<vmem>>
      %dma_start3A_208 = arith.constant 0 : i32
      %dma_start3A_209 = tpu.memref_slice %arg2[%add3A_199, %dma_start3A_208] : memref<400000x32xf32, #tpu.memory_space<hbm>> -> memref<1672x32xf32, #tpu.memory_space<hbm>>
      tpu.enqueue_dma source(%dma_start3A_209 : memref<1672x32xf32, #tpu.memory_space<hbm>>) target(%dma_start3A_207 : memref<1672x32xf32, #tpu.memory_space<vmem>>) target_semaphore(%arg12 : memref<!tpu.dma_semaphore, #tpu.memory_space<semaphore_mem>>)
      %add3A_210 = arith.constant 5400 : i32
      %add3A_211 = arith.addi %add3A_41, %add3A_210 : i32
      %dma_wait3A_212 = arith.constant 0 : i32
      %dma_wait3A_213 = arith.constant 0 : i32
      %dma_wait3A_214 = tpu.memref_slice %arg11[%dma_wait3A_212, %dma_wait3A_213] : memref<1800x32xf32, #tpu.memory_space<vmem>> -> memref<1800x32xf32, #tpu.memory_space<vmem>>
      %dma_wait3A_215 = arith.constant 0 : i32
      %dma_wait3A_216 = tpu.memref_slice %arg2[%add3A_211, %dma_wait3A_215] : memref<400000x32xf32, #tpu.memory_space<hbm>> -> memref<1800x32xf32, #tpu.memory_space<hbm>>
      %dma_wait3A_217 = arith.constant 0 : i32
      %dma_wait3A_218 = arith.constant 0 : i32
      %dma_wait3A_219 = tpu.memref_slice %arg11[%dma_wait3A_217, %dma_wait3A_218] : memref<1800x32xf32, #tpu.memory_space<vmem>> -> memref<1800x32xf32, #tpu.memory_space<vmem>>
      %dma_wait3A_220 = arith.constant 0 : i32
      %dma_wait3A_221 = tpu.memref_slice %arg2[%add3A_211, %dma_wait3A_220] : memref<400000x32xf32, #tpu.memory_space<hbm>> -> memref<1800x32xf32, #tpu.memory_space<hbm>>
      tpu.wait_dma2 semaphore(%arg12 : memref<!tpu.dma_semaphore, #tpu.memory_space<semaphore_mem>>) src(%dma_wait3A_221 : memref<1800x32xf32, #tpu.memory_space<hbm>>) dst(%dma_wait3A_219 : memref<1800x32xf32, #tpu.memory_space<vmem>>)
      %add3A_222 = arith.constant 5400 : i32
      %add3A_223 = arith.addi %add3A_41, %add3A_222 : i32
      %dma_start3A_224 = arith.constant 0 : i32
      %dma_start3A_225 = arith.constant 0 : i32
      %dma_start3A_226 = tpu.memref_slice %arg11[%dma_start3A_224, %dma_start3A_225] : memref<1800x32xf32, #tpu.memory_space<vmem>> -> memref<1800x32xf32, #tpu.memory_space<vmem>>
      %dma_start3A_227 = arith.constant 0 : i32
      %dma_start3A_228 = tpu.memref_slice %arg7[%add3A_223, %dma_start3A_227] : memref<400000x32xf32, #tpu.memory_space<hbm>> -> memref<1800x32xf32, #tpu.memory_space<hbm>>
      %dma_start3A_229 = arith.constant 0 : i32
      %dma_start3A_230 = tpu.memref_slice %arg7[%add3A_223, %dma_start3A_229] : memref<400000x32xf32, #tpu.memory_space<hbm>> -> memref<1800x32xf32, #tpu.memory_space<hbm>>
      %dma_start3A_231 = arith.constant 0 : i32
      %dma_start3A_232 = arith.constant 0 : i32
      %dma_start3A_233 = tpu.memref_slice %arg11[%dma_start3A_231, %dma_start3A_232] : memref<1800x32xf32, #tpu.memory_space<vmem>> -> memref<1800x32xf32, #tpu.memory_space<vmem>>
      tpu.enqueue_dma source(%dma_start3A_233 : memref<1800x32xf32, #tpu.memory_space<vmem>>) target(%dma_start3A_230 : memref<1800x32xf32, #tpu.memory_space<hbm>>) target_semaphore(%arg14 : memref<!tpu.dma_semaphore, #tpu.memory_space<semaphore_mem>>)
      %add3A_234 = arith.constant 5400 : i32
      %add3A_235 = arith.addi %add3A_41, %add3A_234 : i32
      %dma_wait3A_236 = arith.constant 0 : i32
      %dma_wait3A_237 = arith.constant 0 : i32
      %dma_wait3A_238 = tpu.memref_slice %arg11[%dma_wait3A_236, %dma_wait3A_237] : memref<1800x32xf32, #tpu.memory_space<vmem>> -> memref<1800x32xf32, #tpu.memory_space<vmem>>
      %dma_wait3A_239 = arith.constant 0 : i32
      %dma_wait3A_240 = tpu.memref_slice %arg7[%add3A_235, %dma_wait3A_239] : memref<400000x32xf32, #tpu.memory_space<hbm>> -> memref<1800x32xf32, #tpu.memory_space<hbm>>
      %dma_wait3A_241 = arith.constant 0 : i32
      %dma_wait3A_242 = tpu.memref_slice %arg7[%add3A_235, %dma_wait3A_241] : memref<400000x32xf32, #tpu.memory_space<hbm>> -> memref<1800x32xf32, #tpu.memory_space<hbm>>
      %dma_wait3A_243 = arith.constant 0 : i32
      %dma_wait3A_244 = arith.constant 0 : i32
      %dma_wait3A_245 = tpu.memref_slice %arg11[%dma_wait3A_243, %dma_wait3A_244] : memref<1800x32xf32, #tpu.memory_space<vmem>> -> memref<1800x32xf32, #tpu.memory_space<vmem>>
      tpu.wait_dma2 semaphore(%arg14 : memref<!tpu.dma_semaphore, #tpu.memory_space<semaphore_mem>>) src(%dma_wait3A_245 : memref<1800x32xf32, #tpu.memory_space<vmem>>) dst(%dma_wait3A_242 : memref<1800x32xf32, #tpu.memory_space<hbm>>)
      %add3A_246 = arith.constant 7200 : i32
      %add3A_247 = arith.addi %add3A_41, %add3A_246 : i32
      %dma_wait3A_248 = arith.constant 0 : i32
      %dma_wait3A_249 = arith.constant 0 : i32
      %dma_wait3A_250 = tpu.memref_slice %arg10[%dma_wait3A_248, %dma_wait3A_249] : memref<1800x32xf32, #tpu.memory_space<vmem>> -> memref<1672x32xf32, #tpu.memory_space<vmem>>
      %dma_wait3A_251 = arith.constant 0 : i32
      %dma_wait3A_252 = tpu.memref_slice %arg2[%add3A_247, %dma_wait3A_251] : memref<400000x32xf32, #tpu.memory_space<hbm>> -> memref<1672x32xf32, #tpu.memory_space<hbm>>
      %dma_wait3A_253 = arith.constant 0 : i32
      %dma_wait3A_254 = arith.constant 0 : i32
      %dma_wait3A_255 = tpu.memref_slice %arg10[%dma_wait3A_253, %dma_wait3A_254] : memref<1800x32xf32, #tpu.memory_space<vmem>> -> memref<1672x32xf32, #tpu.memory_space<vmem>>
      %dma_wait3A_256 = arith.constant 0 : i32
      %dma_wait3A_257 = tpu.memref_slice %arg2[%add3A_247, %dma_wait3A_256] : memref<400000x32xf32, #tpu.memory_space<hbm>> -> memref<1672x32xf32, #tpu.memory_space<hbm>>
      tpu.wait_dma2 semaphore(%arg12 : memref<!tpu.dma_semaphore, #tpu.memory_space<semaphore_mem>>) src(%dma_wait3A_257 : memref<1672x32xf32, #tpu.memory_space<hbm>>) dst(%dma_wait3A_255 : memref<1672x32xf32, #tpu.memory_space<vmem>>)
      %add3A_258 = arith.constant 7200 : i32
      %add3A_259 = arith.addi %add3A_41, %add3A_258 : i32
      %dma_start3A_260 = arith.constant 0 : i32
      %dma_start3A_261 = arith.constant 0 : i32
      %dma_start3A_262 = tpu.memref_slice %arg10[%dma_start3A_260, %dma_start3A_261] : memref<1800x32xf32, #tpu.memory_space<vmem>> -> memref<1672x32xf32, #tpu.memory_space<vmem>>
      %dma_start3A_263 = arith.constant 0 : i32
      %dma_start3A_264 = tpu.memref_slice %arg7[%add3A_259, %dma_start3A_263] : memref<400000x32xf32, #tpu.memory_space<hbm>> -> memref<1672x32xf32, #tpu.memory_space<hbm>>
      %dma_start3A_265 = arith.constant 0 : i32
      %dma_start3A_266 = tpu.memref_slice %arg7[%add3A_259, %dma_start3A_265] : memref<400000x32xf32, #tpu.memory_space<hbm>> -> memref<1672x32xf32, #tpu.memory_space<hbm>>
      %dma_start3A_267 = arith.constant 0 : i32
      %dma_start3A_268 = arith.constant 0 : i32
      %dma_start3A_269 = tpu.memref_slice %arg10[%dma_start3A_267, %dma_start3A_268] : memref<1800x32xf32, #tpu.memory_space<vmem>> -> memref<1672x32xf32, #tpu.memory_space<vmem>>
      tpu.enqueue_dma source(%dma_start3A_269 : memref<1672x32xf32, #tpu.memory_space<vmem>>) target(%dma_start3A_266 : memref<1672x32xf32, #tpu.memory_space<hbm>>) target_semaphore(%arg14 : memref<!tpu.dma_semaphore, #tpu.memory_space<semaphore_mem>>)
      %add3A_270 = arith.constant 7200 : i32
      %add3A_271 = arith.addi %add3A_41, %add3A_270 : i32
      %dma_wait3A_272 = arith.constant 0 : i32
      %dma_wait3A_273 = arith.constant 0 : i32
      %dma_wait3A_274 = tpu.memref_slice %arg10[%dma_wait3A_272, %dma_wait3A_273] : memref<1800x32xf32, #tpu.memory_space<vmem>> -> memref<1672x32xf32, #tpu.memory_space<vmem>>
      %dma_wait3A_275 = arith.constant 0 : i32
      %dma_wait3A_276 = tpu.memref_slice %arg7[%add3A_271, %dma_wait3A_275] : memref<400000x32xf32, #tpu.memory_space<hbm>> -> memref<1672x32xf32, #tpu.memory_space<hbm>>
      %dma_wait3A_277 = arith.constant 0 : i32
      %dma_wait3A_278 = tpu.memref_slice %arg7[%add3A_271, %dma_wait3A_277] : memref<400000x32xf32, #tpu.memory_space<hbm>> -> memref<1672x32xf32, #tpu.memory_space<hbm>>
      %dma_wait3A_279 = arith.constant 0 : i32
      %dma_wait3A_280 = arith.constant 0 : i32
      %dma_wait3A_281 = tpu.memref_slice %arg10[%dma_wait3A_279, %dma_wait3A_280] : memref<1800x32xf32, #tpu.memory_space<vmem>> -> memref<1672x32xf32, #tpu.memory_space<vmem>>
      tpu.wait_dma2 semaphore(%arg14 : memref<!tpu.dma_semaphore, #tpu.memory_space<semaphore_mem>>) src(%dma_wait3A_281 : memref<1672x32xf32, #tpu.memory_space<vmem>>) dst(%dma_wait3A_278 : memref<1672x32xf32, #tpu.memory_space<hbm>>)
    } else {
    }
    %ge3A_7 = arith.constant 28 : i32
    %ge3A_8 = arith.cmpi sge, %add3A, %ge3A_7 : i32
    %lt3A_9 = arith.constant 32 : i32
    %lt3A_10 = arith.cmpi slt, %add3A, %lt3A_9 : i32
    %and3A = arith.andi %ge3A_8, %lt3A_10 : i1
    %convert_element_type3A_11 = arith.extui %and3A : i1 to i32
    %cond3A_12 = arith.constant 0 : i32
    %cond3A_13 = arith.cmpi ne, %convert_element_type3A_11, %cond3A_12 : i32
    scf.if %cond3A_13 {
      %sub3A = arith.constant 28 : i32
      %sub3A_37 = arith.subi %add3A, %sub3A : i32
      %mul3A_38 = arith.constant 1000 : i32
      %mul3A_39 = arith.muli %sub3A_37, %mul3A_38 : i32
      %add3A_40 = arith.constant 0 : i32
      %add3A_41 = arith.addi %mul3A_39, %add3A_40 : i32
      %dma_start3A_42 = arith.constant 0 : i32
      %dma_start3A_43 = arith.constant 0 : i32
      %dma_start3A_44 = tpu.memref_slice %arg10[%dma_start3A_42, %dma_start3A_43] : memref<1800x32xf32, #tpu.memory_space<vmem>> -> memref<1000x32xf32, #tpu.memory_space<vmem>>
      %dma_start3A_45 = arith.constant 0 : i32
      %dma_start3A_46 = tpu.memref_slice %arg2[%add3A_41, %dma_start3A_45] : memref<400000x32xf32, #tpu.memory_space<hbm>> -> memref<1000x32xf32, #tpu.memory_space<hbm>>
      %dma_start3A_47 = arith.constant 0 : i32
      %dma_start3A_48 = arith.constant 0 : i32
      %dma_start3A_49 = tpu.memref_slice %arg10[%dma_start3A_47, %dma_start3A_48] : memref<1800x32xf32, #tpu.memory_space<vmem>> -> memref<1000x32xf32, #tpu.memory_space<vmem>>
      %dma_start3A_50 = arith.constant 0 : i32
      %dma_start3A_51 = tpu.memref_slice %arg2[%add3A_41, %dma_start3A_50] : memref<400000x32xf32, #tpu.memory_space<hbm>> -> memref<1000x32xf32, #tpu.memory_space<hbm>>
      tpu.enqueue_dma source(%dma_start3A_51 : memref<1000x32xf32, #tpu.memory_space<hbm>>) target(%dma_start3A_49 : memref<1000x32xf32, #tpu.memory_space<vmem>>) target_semaphore(%arg12 : memref<!tpu.dma_semaphore, #tpu.memory_space<semaphore_mem>>)
      %add3A_52 = arith.constant 0 : i32
      %add3A_53 = arith.addi %mul3A_39, %add3A_52 : i32
      %dma_wait3A_54 = arith.constant 0 : i32
      %dma_wait3A_55 = arith.constant 0 : i32
      %dma_wait3A_56 = tpu.memref_slice %arg10[%dma_wait3A_54, %dma_wait3A_55] : memref<1800x32xf32, #tpu.memory_space<vmem>> -> memref<1000x32xf32, #tpu.memory_space<vmem>>
      %dma_wait3A_57 = arith.constant 0 : i32
      %dma_wait3A_58 = tpu.memref_slice %arg2[%add3A_53, %dma_wait3A_57] : memref<400000x32xf32, #tpu.memory_space<hbm>> -> memref<1000x32xf32, #tpu.memory_space<hbm>>
      %dma_wait3A_59 = arith.constant 0 : i32
      %dma_wait3A_60 = arith.constant 0 : i32
      %dma_wait3A_61 = tpu.memref_slice %arg10[%dma_wait3A_59, %dma_wait3A_60] : memref<1800x32xf32, #tpu.memory_space<vmem>> -> memref<1000x32xf32, #tpu.memory_space<vmem>>
      %dma_wait3A_62 = arith.constant 0 : i32
      %dma_wait3A_63 = tpu.memref_slice %arg2[%add3A_53, %dma_wait3A_62] : memref<400000x32xf32, #tpu.memory_space<hbm>> -> memref<1000x32xf32, #tpu.memory_space<hbm>>
      tpu.wait_dma2 semaphore(%arg12 : memref<!tpu.dma_semaphore, #tpu.memory_space<semaphore_mem>>) src(%dma_wait3A_63 : memref<1000x32xf32, #tpu.memory_space<hbm>>) dst(%dma_wait3A_61 : memref<1000x32xf32, #tpu.memory_space<vmem>>)
      %add3A_64 = arith.constant 0 : i32
      %add3A_65 = arith.addi %mul3A_39, %add3A_64 : i32
      %dma_start3A_66 = arith.constant 0 : i32
      %dma_start3A_67 = arith.constant 0 : i32
      %dma_start3A_68 = tpu.memref_slice %arg10[%dma_start3A_66, %dma_start3A_67] : memref<1800x32xf32, #tpu.memory_space<vmem>> -> memref<1000x32xf32, #tpu.memory_space<vmem>>
      %dma_start3A_69 = arith.constant 0 : i32
      %dma_start3A_70 = tpu.memref_slice %arg7[%add3A_65, %dma_start3A_69] : memref<400000x32xf32, #tpu.memory_space<hbm>> -> memref<1000x32xf32, #tpu.memory_space<hbm>>
      %dma_start3A_71 = arith.constant 0 : i32
      %dma_start3A_72 = tpu.memref_slice %arg7[%add3A_65, %dma_start3A_71] : memref<400000x32xf32, #tpu.memory_space<hbm>> -> memref<1000x32xf32, #tpu.memory_space<hbm>>
      %dma_start3A_73 = arith.constant 0 : i32
      %dma_start3A_74 = arith.constant 0 : i32
      %dma_start3A_75 = tpu.memref_slice %arg10[%dma_start3A_73, %dma_start3A_74] : memref<1800x32xf32, #tpu.memory_space<vmem>> -> memref<1000x32xf32, #tpu.memory_space<vmem>>
      tpu.enqueue_dma source(%dma_start3A_75 : memref<1000x32xf32, #tpu.memory_space<vmem>>) target(%dma_start3A_72 : memref<1000x32xf32, #tpu.memory_space<hbm>>) target_semaphore(%arg14 : memref<!tpu.dma_semaphore, #tpu.memory_space<semaphore_mem>>)
      %add3A_76 = arith.constant 0 : i32
      %add3A_77 = arith.addi %mul3A_39, %add3A_76 : i32
      %dma_wait3A_78 = arith.constant 0 : i32
      %dma_wait3A_79 = arith.constant 0 : i32
      %dma_wait3A_80 = tpu.memref_slice %arg10[%dma_wait3A_78, %dma_wait3A_79] : memref<1800x32xf32, #tpu.memory_space<vmem>> -> memref<1000x32xf32, #tpu.memory_space<vmem>>
      %dma_wait3A_81 = arith.constant 0 : i32
      %dma_wait3A_82 = tpu.memref_slice %arg7[%add3A_77, %dma_wait3A_81] : memref<400000x32xf32, #tpu.memory_space<hbm>> -> memref<1000x32xf32, #tpu.memory_space<hbm>>
      %dma_wait3A_83 = arith.constant 0 : i32
      %dma_wait3A_84 = tpu.memref_slice %arg7[%add3A_77, %dma_wait3A_83] : memref<400000x32xf32, #tpu.memory_space<hbm>> -> memref<1000x32xf32, #tpu.memory_space<hbm>>
      %dma_wait3A_85 = arith.constant 0 : i32
      %dma_wait3A_86 = arith.constant 0 : i32
      %dma_wait3A_87 = tpu.memref_slice %arg10[%dma_wait3A_85, %dma_wait3A_86] : memref<1800x32xf32, #tpu.memory_space<vmem>> -> memref<1000x32xf32, #tpu.memory_space<vmem>>
      tpu.wait_dma2 semaphore(%arg14 : memref<!tpu.dma_semaphore, #tpu.memory_space<semaphore_mem>>) src(%dma_wait3A_87 : memref<1000x32xf32, #tpu.memory_space<vmem>>) dst(%dma_wait3A_84 : memref<1000x32xf32, #tpu.memory_space<hbm>>)
    } else {
    }
    %lt3A_14 = arith.constant 25 : i32
    %lt3A_15 = arith.cmpi slt, %add3A, %lt3A_14 : i32
    %convert_element_type3A_16 = arith.extui %lt3A_15 : i1 to i32
    %cond3A_17 = arith.constant 0 : i32
    %cond3A_18 = arith.cmpi ne, %convert_element_type3A_16, %cond3A_17 : i32
    scf.if %cond3A_18 {
      %mul3A_37 = arith.constant 3200 : i32
      %mul3A_38 = arith.muli %add3A, %mul3A_37 : i32
      %add3A_39 = arith.constant 0 : i32
      %add3A_40 = arith.addi %mul3A_38, %add3A_39 : i32
      "tpu.region"() ({
        %run_scoped3A = tpu.sem_alloc : memref<!tpu.dma_semaphore, #tpu.memory_space<semaphore_mem>>
        %dma_start3A_75 = tpu.memref_slice %arg3[%add3A_40] : memref<80000xi32, #tpu.memory_space<hbm>> -> memref<1600xi32, #tpu.memory_space<hbm>>
        %dma_start3A_76 = tpu.memref_slice %arg3[%add3A_40] : memref<80000xi32, #tpu.memory_space<hbm>> -> memref<1600xi32, #tpu.memory_space<hbm>>
        tpu.enqueue_dma source(%dma_start3A_76 : memref<1600xi32, #tpu.memory_space<hbm>>) target(%arg8 : memref<1600xi32, #tpu.memory_space<vmem>>) target_semaphore(%run_scoped3A : memref<!tpu.dma_semaphore, #tpu.memory_space<semaphore_mem>>)
        %dma_wait3A_77 = tpu.memref_slice %arg3[%add3A_40] : memref<80000xi32, #tpu.memory_space<hbm>> -> memref<1600xi32, #tpu.memory_space<hbm>>
        %dma_wait3A_78 = tpu.memref_slice %arg3[%add3A_40] : memref<80000xi32, #tpu.memory_space<hbm>> -> memref<1600xi32, #tpu.memory_space<hbm>>
        tpu.wait_dma2 semaphore(%run_scoped3A : memref<!tpu.dma_semaphore, #tpu.memory_space<semaphore_mem>>) src(%dma_wait3A_78 : memref<1600xi32, #tpu.memory_space<hbm>>) dst(%arg8 : memref<1600xi32, #tpu.memory_space<vmem>>)
        tpu.yield
      }) : () -> ()
      %add3A_41 = arith.constant 1600 : i32
      %add3A_42 = arith.addi %mul3A_38, %add3A_41 : i32
      "tpu.region"() ({
        %run_scoped3A = tpu.sem_alloc : memref<!tpu.dma_semaphore, #tpu.memory_space<semaphore_mem>>
        %dma_start3A_75 = tpu.memref_slice %arg3[%add3A_42] : memref<80000xi32, #tpu.memory_space<hbm>> -> memref<1600xi32, #tpu.memory_space<hbm>>
        %dma_start3A_76 = tpu.memref_slice %arg3[%add3A_42] : memref<80000xi32, #tpu.memory_space<hbm>> -> memref<1600xi32, #tpu.memory_space<hbm>>
        tpu.enqueue_dma source(%dma_start3A_76 : memref<1600xi32, #tpu.memory_space<hbm>>) target(%arg9 : memref<1600xi32, #tpu.memory_space<vmem>>) target_semaphore(%run_scoped3A : memref<!tpu.dma_semaphore, #tpu.memory_space<semaphore_mem>>)
        %dma_wait3A_77 = tpu.memref_slice %arg3[%add3A_42] : memref<80000xi32, #tpu.memory_space<hbm>> -> memref<1600xi32, #tpu.memory_space<hbm>>
        %dma_wait3A_78 = tpu.memref_slice %arg3[%add3A_42] : memref<80000xi32, #tpu.memory_space<hbm>> -> memref<1600xi32, #tpu.memory_space<hbm>>
        tpu.wait_dma2 semaphore(%run_scoped3A : memref<!tpu.dma_semaphore, #tpu.memory_space<semaphore_mem>>) src(%dma_wait3A_78 : memref<1600xi32, #tpu.memory_space<hbm>>) dst(%arg9 : memref<1600xi32, #tpu.memory_space<vmem>>)
        tpu.yield
      }) : () -> ()
      %dma_start3A_43 = arith.constant 0 : i32
      %dma_start3A_44 = arith.constant 0 : i32
      %dma_start3A_45 = tpu.memref_slice %arg10[%dma_start3A_43, %dma_start3A_44] : memref<1800x32xf32, #tpu.memory_space<vmem>> -> memref<1600x32xf32, #tpu.memory_space<vmem>>
      %dma_start3A_46 = arith.constant 0 : i32
      %dma_start3A_47 = arith.constant 0 : i32
      %dma_start3A_48 = tpu.memref_slice %arg5[%dma_start3A_46, %dma_start3A_47] : memref<30000x32xf32, #tpu.memory_space<hbm>> -> memref<30000x32xf32, #tpu.memory_space<hbm>>
      tpu.enqueue_indirect_dma source(%dma_start3A_48 : memref<30000x32xf32, #tpu.memory_space<hbm>>) target(%dma_start3A_45 : memref<1600x32xf32, #tpu.memory_space<vmem>>) offsets(%arg8 : memref<1600xi32, #tpu.memory_space<vmem>>) semaphore(%arg13 : memref<!tpu.dma_semaphore, #tpu.memory_space<semaphore_mem>>)
      %dma_start3A_49 = arith.constant 0 : i32
      %dma_start3A_50 = arith.constant 0 : i32
      %dma_start3A_51 = tpu.memref_slice %arg11[%dma_start3A_49, %dma_start3A_50] : memref<1800x32xf32, #tpu.memory_space<vmem>> -> memref<1600x32xf32, #tpu.memory_space<vmem>>
      %dma_start3A_52 = arith.constant 0 : i32
      %dma_start3A_53 = arith.constant 0 : i32
      %dma_start3A_54 = tpu.memref_slice %arg5[%dma_start3A_52, %dma_start3A_53] : memref<30000x32xf32, #tpu.memory_space<hbm>> -> memref<30000x32xf32, #tpu.memory_space<hbm>>
      tpu.enqueue_indirect_dma source(%dma_start3A_54 : memref<30000x32xf32, #tpu.memory_space<hbm>>) target(%dma_start3A_51 : memref<1600x32xf32, #tpu.memory_space<vmem>>) offsets(%arg9 : memref<1600xi32, #tpu.memory_space<vmem>>) semaphore(%arg13 : memref<!tpu.dma_semaphore, #tpu.memory_space<semaphore_mem>>)
      %dma_wait3A_55 = arith.constant 0 : i32
      %dma_wait3A_56 = arith.constant 0 : i32
      %dma_wait3A_57 = tpu.memref_slice %arg10[%dma_wait3A_55, %dma_wait3A_56] : memref<1800x32xf32, #tpu.memory_space<vmem>> -> memref<1600x32xf32, #tpu.memory_space<vmem>>
      %dma_wait3A_58 = arith.constant 0 : i32
      %dma_wait3A_59 = arith.constant 0 : i32
      %dma_wait3A_60 = tpu.memref_slice %arg5[%dma_wait3A_58, %dma_wait3A_59] : memref<30000x32xf32, #tpu.memory_space<hbm>> -> memref<30000x32xf32, #tpu.memory_space<hbm>>
      tpu.wait_indirect_dma semaphore(%arg13 : memref<!tpu.dma_semaphore, #tpu.memory_space<semaphore_mem>>) src(%dma_wait3A_60 : memref<30000x32xf32, #tpu.memory_space<hbm>>) dst(%dma_wait3A_57 : memref<1600x32xf32, #tpu.memory_space<vmem>>)
      %add3A_61 = arith.constant 4000 : i32
      %add3A_62 = arith.addi %add3A_61, %mul3A_38 : i32
      %add3A_63 = arith.constant 0 : i32
      %add3A_64 = arith.addi %add3A_62, %add3A_63 : i32
      "tpu.region"() ({
        %run_scoped3A = tpu.sem_alloc : memref<!tpu.dma_semaphore, #tpu.memory_space<semaphore_mem>>
        %dma_start3A_75 = arith.constant 0 : i32
        %dma_start3A_76 = arith.constant 0 : i32
        %dma_start3A_77 = tpu.memref_slice %arg10[%dma_start3A_75, %dma_start3A_76] : memref<1800x32xf32, #tpu.memory_space<vmem>> -> memref<1600x32xf32, #tpu.memory_space<vmem>>
        %dma_start3A_78 = arith.constant 0 : i32
        %dma_start3A_79 = tpu.memref_slice %arg7[%add3A_64, %dma_start3A_78] : memref<400000x32xf32, #tpu.memory_space<hbm>> -> memref<1600x32xf32, #tpu.memory_space<hbm>>
        %dma_start3A_80 = arith.constant 0 : i32
        %dma_start3A_81 = tpu.memref_slice %arg7[%add3A_64, %dma_start3A_80] : memref<400000x32xf32, #tpu.memory_space<hbm>> -> memref<1600x32xf32, #tpu.memory_space<hbm>>
        %dma_start3A_82 = arith.constant 0 : i32
        %dma_start3A_83 = arith.constant 0 : i32
        %dma_start3A_84 = tpu.memref_slice %arg10[%dma_start3A_82, %dma_start3A_83] : memref<1800x32xf32, #tpu.memory_space<vmem>> -> memref<1600x32xf32, #tpu.memory_space<vmem>>
        tpu.enqueue_dma source(%dma_start3A_84 : memref<1600x32xf32, #tpu.memory_space<vmem>>) target(%dma_start3A_81 : memref<1600x32xf32, #tpu.memory_space<hbm>>) target_semaphore(%run_scoped3A : memref<!tpu.dma_semaphore, #tpu.memory_space<semaphore_mem>>)
        %dma_wait3A_85 = arith.constant 0 : i32
        %dma_wait3A_86 = arith.constant 0 : i32
        %dma_wait3A_87 = tpu.memref_slice %arg10[%dma_wait3A_85, %dma_wait3A_86] : memref<1800x32xf32, #tpu.memory_space<vmem>> -> memref<1600x32xf32, #tpu.memory_space<vmem>>
        %dma_wait3A_88 = arith.constant 0 : i32
        %dma_wait3A_89 = tpu.memref_slice %arg7[%add3A_64, %dma_wait3A_88] : memref<400000x32xf32, #tpu.memory_space<hbm>> -> memref<1600x32xf32, #tpu.memory_space<hbm>>
        %dma_wait3A_90 = arith.constant 0 : i32
        %dma_wait3A_91 = tpu.memref_slice %arg7[%add3A_64, %dma_wait3A_90] : memref<400000x32xf32, #tpu.memory_space<hbm>> -> memref<1600x32xf32, #tpu.memory_space<hbm>>
        %dma_wait3A_92 = arith.constant 0 : i32
        %dma_wait3A_93 = arith.constant 0 : i32
        %dma_wait3A_94 = tpu.memref_slice %arg10[%dma_wait3A_92, %dma_wait3A_93] : memref<1800x32xf32, #tpu.memory_space<vmem>> -> memref<1600x32xf32, #tpu.memory_space<vmem>>
        tpu.wait_dma2 semaphore(%run_scoped3A : memref<!tpu.dma_semaphore, #tpu.memory_space<semaphore_mem>>) src(%dma_wait3A_94 : memref<1600x32xf32, #tpu.memory_space<vmem>>) dst(%dma_wait3A_91 : memref<1600x32xf32, #tpu.memory_space<hbm>>)
        tpu.yield
      }) : () -> ()
      %dma_wait3A_65 = arith.constant 0 : i32
      %dma_wait3A_66 = arith.constant 0 : i32
      %dma_wait3A_67 = tpu.memref_slice %arg11[%dma_wait3A_65, %dma_wait3A_66] : memref<1800x32xf32, #tpu.memory_space<vmem>> -> memref<1600x32xf32, #tpu.memory_space<vmem>>
      %dma_wait3A_68 = arith.constant 0 : i32
      %dma_wait3A_69 = arith.constant 0 : i32
      %dma_wait3A_70 = tpu.memref_slice %arg5[%dma_wait3A_68, %dma_wait3A_69] : memref<30000x32xf32, #tpu.memory_space<hbm>> -> memref<30000x32xf32, #tpu.memory_space<hbm>>
      tpu.wait_indirect_dma semaphore(%arg13 : memref<!tpu.dma_semaphore, #tpu.memory_space<semaphore_mem>>) src(%dma_wait3A_70 : memref<30000x32xf32, #tpu.memory_space<hbm>>) dst(%dma_wait3A_67 : memref<1600x32xf32, #tpu.memory_space<vmem>>)
      %add3A_71 = arith.constant 4000 : i32
      %add3A_72 = arith.addi %add3A_71, %mul3A_38 : i32
      %add3A_73 = arith.constant 1600 : i32
      %add3A_74 = arith.addi %add3A_72, %add3A_73 : i32
      "tpu.region"() ({
        %run_scoped3A = tpu.sem_alloc : memref<!tpu.dma_semaphore, #tpu.memory_space<semaphore_mem>>
        %dma_start3A_75 = arith.constant 0 : i32
        %dma_start3A_76 = arith.constant 0 : i32
        %dma_start3A_77 = tpu.memref_slice %arg11[%dma_start3A_75, %dma_start3A_76] : memref<1800x32xf32, #tpu.memory_space<vmem>> -> memref<1600x32xf32, #tpu.memory_space<vmem>>
        %dma_start3A_78 = arith.constant 0 : i32
        %dma_start3A_79 = tpu.memref_slice %arg7[%add3A_74, %dma_start3A_78] : memref<400000x32xf32, #tpu.memory_space<hbm>> -> memref<1600x32xf32, #tpu.memory_space<hbm>>
        %dma_start3A_80 = arith.constant 0 : i32
        %dma_start3A_81 = tpu.memref_slice %arg7[%add3A_74, %dma_start3A_80] : memref<400000x32xf32, #tpu.memory_space<hbm>> -> memref<1600x32xf32, #tpu.memory_space<hbm>>
        %dma_start3A_82 = arith.constant 0 : i32
        %dma_start3A_83 = arith.constant 0 : i32
        %dma_start3A_84 = tpu.memref_slice %arg11[%dma_start3A_82, %dma_start3A_83] : memref<1800x32xf32, #tpu.memory_space<vmem>> -> memref<1600x32xf32, #tpu.memory_space<vmem>>
        tpu.enqueue_dma source(%dma_start3A_84 : memref<1600x32xf32, #tpu.memory_space<vmem>>) target(%dma_start3A_81 : memref<1600x32xf32, #tpu.memory_space<hbm>>) target_semaphore(%run_scoped3A : memref<!tpu.dma_semaphore, #tpu.memory_space<semaphore_mem>>)
        %dma_wait3A_85 = arith.constant 0 : i32
        %dma_wait3A_86 = arith.constant 0 : i32
        %dma_wait3A_87 = tpu.memref_slice %arg11[%dma_wait3A_85, %dma_wait3A_86] : memref<1800x32xf32, #tpu.memory_space<vmem>> -> memref<1600x32xf32, #tpu.memory_space<vmem>>
        %dma_wait3A_88 = arith.constant 0 : i32
        %dma_wait3A_89 = tpu.memref_slice %arg7[%add3A_74, %dma_wait3A_88] : memref<400000x32xf32, #tpu.memory_space<hbm>> -> memref<1600x32xf32, #tpu.memory_space<hbm>>
        %dma_wait3A_90 = arith.constant 0 : i32
        %dma_wait3A_91 = tpu.memref_slice %arg7[%add3A_74, %dma_wait3A_90] : memref<400000x32xf32, #tpu.memory_space<hbm>> -> memref<1600x32xf32, #tpu.memory_space<hbm>>
        %dma_wait3A_92 = arith.constant 0 : i32
        %dma_wait3A_93 = arith.constant 0 : i32
        %dma_wait3A_94 = tpu.memref_slice %arg11[%dma_wait3A_92, %dma_wait3A_93] : memref<1800x32xf32, #tpu.memory_space<vmem>> -> memref<1600x32xf32, #tpu.memory_space<vmem>>
        tpu.wait_dma2 semaphore(%run_scoped3A : memref<!tpu.dma_semaphore, #tpu.memory_space<semaphore_mem>>) src(%dma_wait3A_94 : memref<1600x32xf32, #tpu.memory_space<vmem>>) dst(%dma_wait3A_91 : memref<1600x32xf32, #tpu.memory_space<hbm>>)
        tpu.yield
      }) : () -> ()
    } else {
    }
    %mul3A_19 = arith.constant 1000 : i32
    %mul3A_20 = arith.muli %add3A, %mul3A_19 : i32
    "tpu.region"() ({
      %run_scoped3A = tpu.sem_alloc : memref<!tpu.dma_semaphore, #tpu.memory_space<semaphore_mem>>
      %dma_start3A_37 = arith.constant 0 : i32
      %dma_start3A_38 = tpu.memref_slice %arg8[%dma_start3A_37] : memref<1600xi32, #tpu.memory_space<vmem>> -> memref<1000xi32, #tpu.memory_space<vmem>>
      %dma_start3A_39 = tpu.memref_slice %arg4[%mul3A_20] : memref<32000xi32, #tpu.memory_space<hbm>> -> memref<1000xi32, #tpu.memory_space<hbm>>
      %dma_start3A_40 = arith.constant 0 : i32
      %dma_start3A_41 = tpu.memref_slice %arg8[%dma_start3A_40] : memref<1600xi32, #tpu.memory_space<vmem>> -> memref<1000xi32, #tpu.memory_space<vmem>>
      %dma_start3A_42 = tpu.memref_slice %arg4[%mul3A_20] : memref<32000xi32, #tpu.memory_space<hbm>> -> memref<1000xi32, #tpu.memory_space<hbm>>
      tpu.enqueue_dma source(%dma_start3A_42 : memref<1000xi32, #tpu.memory_space<hbm>>) target(%dma_start3A_41 : memref<1000xi32, #tpu.memory_space<vmem>>) target_semaphore(%run_scoped3A : memref<!tpu.dma_semaphore, #tpu.memory_space<semaphore_mem>>)
      %dma_wait3A_43 = arith.constant 0 : i32
      %dma_wait3A_44 = tpu.memref_slice %arg8[%dma_wait3A_43] : memref<1600xi32, #tpu.memory_space<vmem>> -> memref<1000xi32, #tpu.memory_space<vmem>>
      %dma_wait3A_45 = tpu.memref_slice %arg4[%mul3A_20] : memref<32000xi32, #tpu.memory_space<hbm>> -> memref<1000xi32, #tpu.memory_space<hbm>>
      %dma_wait3A_46 = arith.constant 0 : i32
      %dma_wait3A_47 = tpu.memref_slice %arg8[%dma_wait3A_46] : memref<1600xi32, #tpu.memory_space<vmem>> -> memref<1000xi32, #tpu.memory_space<vmem>>
      %dma_wait3A_48 = tpu.memref_slice %arg4[%mul3A_20] : memref<32000xi32, #tpu.memory_space<hbm>> -> memref<1000xi32, #tpu.memory_space<hbm>>
      tpu.wait_dma2 semaphore(%run_scoped3A : memref<!tpu.dma_semaphore, #tpu.memory_space<semaphore_mem>>) src(%dma_wait3A_48 : memref<1000xi32, #tpu.memory_space<hbm>>) dst(%dma_wait3A_47 : memref<1000xi32, #tpu.memory_space<vmem>>)
      tpu.yield
    }) : () -> ()
    %dma_start3A = arith.constant 0 : i32
    %dma_start3A_21 = arith.constant 0 : i32
    %dma_start3A_22 = tpu.memref_slice %arg10[%dma_start3A, %dma_start3A_21] : memref<1800x32xf32, #tpu.memory_space<vmem>> -> memref<1000x32xf32, #tpu.memory_space<vmem>>
    %dma_start3A_23 = arith.constant 0 : i32
    %dma_start3A_24 = tpu.memref_slice %arg8[%dma_start3A_23] : memref<1600xi32, #tpu.memory_space<vmem>> -> memref<1000xi32, #tpu.memory_space<vmem>>
    %dma_start3A_25 = arith.constant 0 : i32
    %dma_start3A_26 = arith.constant 0 : i32
    %dma_start3A_27 = tpu.memref_slice %arg6[%dma_start3A_25, %dma_start3A_26] : memref<10000x32xf32, #tpu.memory_space<hbm>> -> memref<10000x32xf32, #tpu.memory_space<hbm>>
    tpu.enqueue_indirect_dma source(%dma_start3A_27 : memref<10000x32xf32, #tpu.memory_space<hbm>>) target(%dma_start3A_22 : memref<1000x32xf32, #tpu.memory_space<vmem>>) offsets(%dma_start3A_24 : memref<1000xi32, #tpu.memory_space<vmem>>) semaphore(%arg13 : memref<!tpu.dma_semaphore, #tpu.memory_space<semaphore_mem>>)
    %dma_wait3A = arith.constant 0 : i32
    %dma_wait3A_28 = arith.constant 0 : i32
    %dma_wait3A_29 = tpu.memref_slice %arg10[%dma_wait3A, %dma_wait3A_28] : memref<1800x32xf32, #tpu.memory_space<vmem>> -> memref<1000x32xf32, #tpu.memory_space<vmem>>
    %dma_wait3A_30 = arith.constant 0 : i32
    %dma_wait3A_31 = tpu.memref_slice %arg8[%dma_wait3A_30] : memref<1600xi32, #tpu.memory_space<vmem>> -> memref<1000xi32, #tpu.memory_space<vmem>>
    %dma_wait3A_32 = arith.constant 0 : i32
    %dma_wait3A_33 = arith.constant 0 : i32
    %dma_wait3A_34 = tpu.memref_slice %arg6[%dma_wait3A_32, %dma_wait3A_33] : memref<10000x32xf32, #tpu.memory_space<hbm>> -> memref<10000x32xf32, #tpu.memory_space<hbm>>
    tpu.wait_indirect_dma semaphore(%arg13 : memref<!tpu.dma_semaphore, #tpu.memory_space<semaphore_mem>>) src(%dma_wait3A_34 : memref<10000x32xf32, #tpu.memory_space<hbm>>) dst(%dma_wait3A_29 : memref<1000x32xf32, #tpu.memory_space<vmem>>)
    %add3A_35 = arith.constant 84000 : i32
    %add3A_36 = arith.addi %add3A_35, %mul3A_20 : i32
    "tpu.region"() ({
      %run_scoped3A = tpu.sem_alloc : memref<!tpu.dma_semaphore, #tpu.memory_space<semaphore_mem>>
      %dma_start3A_37 = arith.constant 0 : i32
      %dma_start3A_38 = arith.constant 0 : i32
      %dma_start3A_39 = tpu.memref_slice %arg10[%dma_start3A_37, %dma_start3A_38] : memref<1800x32xf32, #tpu.memory_space<vmem>> -> memref<1000x32xf32, #tpu.memory_space<vmem>>
      %dma_start3A_40 = arith.constant 0 : i32
      %dma_start3A_41 = tpu.memref_slice %arg7[%add3A_36, %dma_start3A_40] : memref<400000x32xf32, #tpu.memory_space<hbm>> -> memref<1000x32xf32, #tpu.memory_space<hbm>>
      %dma_start3A_42 = arith.constant 0 : i32
      %dma_start3A_43 = tpu.memref_slice %arg7[%add3A_36, %dma_start3A_42] : memref<400000x32xf32, #tpu.memory_space<hbm>> -> memref<1000x32xf32, #tpu.memory_space<hbm>>
      %dma_start3A_44 = arith.constant 0 : i32
      %dma_start3A_45 = arith.constant 0 : i32
      %dma_start3A_46 = tpu.memref_slice %arg10[%dma_start3A_44, %dma_start3A_45] : memref<1800x32xf32, #tpu.memory_space<vmem>> -> memref<1000x32xf32, #tpu.memory_space<vmem>>
      tpu.enqueue_dma source(%dma_start3A_46 : memref<1000x32xf32, #tpu.memory_space<vmem>>) target(%dma_start3A_43 : memref<1000x32xf32, #tpu.memory_space<hbm>>) target_semaphore(%run_scoped3A : memref<!tpu.dma_semaphore, #tpu.memory_space<semaphore_mem>>)
      %dma_wait3A_47 = arith.constant 0 : i32
      %dma_wait3A_48 = arith.constant 0 : i32
      %dma_wait3A_49 = tpu.memref_slice %arg10[%dma_wait3A_47, %dma_wait3A_48] : memref<1800x32xf32, #tpu.memory_space<vmem>> -> memref<1000x32xf32, #tpu.memory_space<vmem>>
      %dma_wait3A_50 = arith.constant 0 : i32
      %dma_wait3A_51 = tpu.memref_slice %arg7[%add3A_36, %dma_wait3A_50] : memref<400000x32xf32, #tpu.memory_space<hbm>> -> memref<1000x32xf32, #tpu.memory_space<hbm>>
      %dma_wait3A_52 = arith.constant 0 : i32
      %dma_wait3A_53 = tpu.memref_slice %arg7[%add3A_36, %dma_wait3A_52] : memref<400000x32xf32, #tpu.memory_space<hbm>> -> memref<1000x32xf32, #tpu.memory_space<hbm>>
      %dma_wait3A_54 = arith.constant 0 : i32
      %dma_wait3A_55 = arith.constant 0 : i32
      %dma_wait3A_56 = tpu.memref_slice %arg10[%dma_wait3A_54, %dma_wait3A_55] : memref<1800x32xf32, #tpu.memory_space<vmem>> -> memref<1000x32xf32, #tpu.memory_space<vmem>>
      tpu.wait_dma2 semaphore(%run_scoped3A : memref<!tpu.dma_semaphore, #tpu.memory_space<semaphore_mem>>) src(%dma_wait3A_56 : memref<1000x32xf32, #tpu.memory_space<vmem>>) dst(%dma_wait3A_53 : memref<1000x32xf32, #tpu.memory_space<hbm>>)
      tpu.yield
    }) : () -> ()
    return
  }
}

</mosaic_0001>

<sc_bundles>
// kernel: kernel.4.cloned.1.call-start
scs
__scs_entry_jumppad:
0x0: {  	(pc) =	sbr.rel $0x88, $3  }
0x1: {  	(tag) =	ssettag $0x0;
	lr =	simm.s32 $0x1  }
0x2: {  	[smem:$0x3F9B] =	sst lr;
	_ =	strace $0xD0000000  }
0x3: {  	_ = 	snop  }
0x4: {  	_ = 	snop  }
0x5: {  	_ = 	snop  }
0x6: {  	_ = 	snop  }
0x7: {  	_ = 	snop  }
__scs_overlays_trampoline_lowered:
0x8: {  	[smem:$0x3FAA] =	sst s0  }
0x9: {  	[smem:$0x3FAB] =	sst s1  }
0xa: {  	[smem:$0x3FAC] =	sst s2  }
0xb: {  	[smem:$0x3FAD] =	sst s3  }
0xc: {  	[smem:$0x3FAE] =	sst s4  }
0xd: {  	[smem:$0x3FAF] =	sst s5  }
0xe: {  	[smem:$0x3FB0] =	sst s6  }
0xf: {  	[smem:$0x3FB1] =	sst s7  }
0x10: {  	[smem:$0x3FB2] =	sst s8  }
0x11: {  	[smem:$0x3FB3] =	sst s9;
	s0 =	simm.s32 @!p0 $0x0  }
0x12: {  	s1 =	sld [smem:$0x3F99];
	s0 =	simm.s32 @p0 $0x1  }
0x13: {  	[smem:$0x3FB4] =	sst s0;
	s0 =	simm.s32 @!p1 $0x0  }
0x14: {  	s2 =	sld [smem:$0x3F98];
	s0 =	simm.s32 @p1 $0x1  }
0x15: {  	[smem:$0x3FB5] =	sst s0;
	s0 =	simm.s32 @!p2 $0x0  }
0x16: {  	s3 =	sld [smem:$0x3FDB];
	s0 =	simm.s32 @p2 $0x1  }
0x17: {  	s4 =	simm.s32 $0x1BF5;
	[smem:$0x3FB7] =	sst s0  }
0x18: {  	s0 =	sld [smem:$0x3F9A];
	_ =	swait.ge [sflag:s4], $0x0  }
0x19: {  	s7 =	sld [smem:$0x3F9B]  }
0x1a: {  	s8 =	sadd.s32 $0xFFFFE003, lr  }
0x1b: {  	s9 =	sadd.s32 $0xFFFFFEF7, lr;
	s5 =	simm.s32 $0xFFFFFFFF;
	p2 =	slt.u32 s8, $0xFFFFF086  }
0x1c: {  	p1 =	slt.u32 s9, $0xF7A;
	s5 =	simm.s32 @!p2 $0x0  }
0x1d: {  	s5 =	simm.s32 @p1 $0x1;
	p0 =	seq.s32 s7, s2  }
0x1e: {  	s7 =	smul.u32 @!p0 $0xF7A, s2;
	p2 =	seq.s32 @!p0 s5, $0x0  }
0x1f: {  	s9 =	smul.u32 $0xF7A, s1;
	s8 =	simm.s32 @!p0 $0x1BF5;
	p2 =	por !p2, p0  }
0x20: {  	[sflag:s8] =	ssyncset.s32 @!p0 $0xFFFFF086;
	s6 =	sadd.s32 @!p0 s3, s7;
	s7 =	simm.s32 @!p0 $0x108  }
0x21: {  	s3 =	sadd.s32 s3, s9;
	s6 =	sadd.s32 @!p0 $0x88, s6;
	s7 =	simm.s32 @p2 $0x1082  }
0x22: {  	[simem:s7], [sflag:s8] =	dma.local @!p0 [hbm:s6], $0xF7A  }
0x23: {  	s9 =	sor.u32 $0xD0000000, s2;
	s6 =	simm.s32 $0x108;
	_ =	swait.ge @!p0 [sflag:s8], $0x0  }
0x24: {  	s3 =	sadd.s32 $0x88, s3;
	s6 =	simm.s32 @!p1 $0x1082;
	[sflag:s4] =	ssyncset.s32 $0xFFFFF086  }
0x25: {  	[simem:s6], [sflag:s4] =	dma.local [hbm:s3], $0xF7A  }
0x26: {  	[smem:$0x3F9B] =	sst s1;
	(tag) =	ssettag s2;
	_ =	strace s9  }
0x27: {  	s1 =	sld [smem:$0x3FAB]  }
0x28: {  	s2 =	sld [smem:$0x3FAC]  }
0x29: {  	s4 =	sld [smem:$0x3FAE]  }
0x2a: {  	p0 =	seq.s32 s5, $0x0;
	s5 =	sld [smem:$0x3FAF]  }
0x2b: {  	s6 =	sld [smem:$0x3FB0]  }
0x2c: {  	s7 =	sld [smem:$0x3FB1]  }
0x2d: {  	s3 =	simm.s32 $0x108;
	s8 =	sld [smem:$0x3FB2]  }
0x2e: {  	s3 =	simm.s32 @!p0 $0x1082;
	s9 =	sld [smem:$0x3FB3]  }
0x2f: {  	lr =	sadd.s32 s0, s3;
	s0 =	sld [smem:$0x3FAA]  }
0x30: {  	s3 =	sld [smem:$0x3FAD]  }
0x31: {  	[smem:$0x3FB6] =	sst s10  }
0x32: {  	s10 =	sld [smem:$0x3FB4];
	_ =	sdelay $0x3  }
0x33: {  	p0 =	seq.s32 s10, $0x1;
	s10 =	sld [smem:$0x3FB6];
	_ =	sdelay $0x3  }
0x34: {  	[smem:$0x3FB6] =	sst s10  }
0x35: {  	s10 =	sld [smem:$0x3FB5];
	_ =	sdelay $0x3  }
0x36: {  	p1 =	seq.s32 s10, $0x1;
	s10 =	sld [smem:$0x3FB6];
	_ =	sdelay $0x3  }
0x37: {  	[smem:$0x3FB6] =	sst s10  }
0x38: {  	s10 =	sld [smem:$0x3FB7]  }
0x39: {  	_ = 	snop;
	(pc) =	sbr.ind lr, $3  }
0x3a: {  	_ = 	snop  }
0x3b: {  	_ = 	snop  }
0x3c: {  	p2 =	seq.s32 s10, $0x1;
	s10 =	sld [smem:$0x3FB6]  }
0x3d: {  	_ =	shalt  }
0x3e: {  	_ =	shalt  }
0x3f: {  	_ =	shalt  }
0x40: {  	_ =	shalt  }
0x41: {  	_ =	shalt  }
0x42: {  	_ =	shalt  }
0x43: {  	_ =	shalt  }
0x44: {  	_ =	shalt  }
0x45: {  	_ =	shalt  }
0x46: {  	_ =	shalt  }
0x47: {  	_ =	shalt  }
0x48: {  	_ =	shalt  }
0x49: {  	_ =	shalt  }
0x4a: {  	_ =	shalt  }
0x4b: {  	_ =	shalt  }
0x4c: {  	_ =	shalt  }
0x4d: {  	_ =	shalt  }
0x4e: {  	_ =	shalt  }
0x4f: {  	_ =	shalt  }
0x50: {  	_ =	shalt  }
0x51: {  	_ =	shalt  }
0x52: {  	_ =	shalt  }
0x53: {  	_ =	shalt  }
0x54: {  	_ =	shalt  }
0x55: {  	_ =	shalt  }
0x56: {  	_ =	shalt  }
0x57: {  	_ =	shalt  }
0x58: {  	_ =	shalt  }
0x59: {  	_ =	shalt  }
0x5a: {  	_ =	shalt  }
0x5b: {  	_ =	shalt  }
0x5c: {  	_ =	shalt  }
0x5d: {  	_ =	shalt  }
0x5e: {  	_ =	shalt  }
0x5f: {  	_ =	shalt  }
0x60: {  	_ =	shalt  }
0x61: {  	_ =	shalt  }
0x62: {  	_ =	shalt  }
0x63: {  	_ =	shalt  }
0x64: {  	_ =	shalt  }
0x65: {  	_ =	shalt  }
0x66: {  	_ =	shalt  }
0x67: {  	_ =	shalt  }
0x68: {  	_ =	shalt  }
0x69: {  	_ =	shalt  }
0x6a: {  	_ =	shalt  }
0x6b: {  	_ =	shalt  }
0x6c: {  	_ =	shalt  }
0x6d: {  	_ =	shalt  }
0x6e: {  	_ =	shalt  }
0x6f: {  	_ =	shalt  }
0x70: {  	_ =	shalt  }
0x71: {  	_ =	shalt  }
0x72: {  	_ =	shalt  }
0x73: {  	_ =	shalt  }
0x74: {  	_ =	shalt  }
0x75: {  	_ =	shalt  }
0x76: {  	_ =	shalt  }
0x77: {  	_ =	shalt  }
0x78: {  	_ =	shalt  }
0x79: {  	_ =	shalt  }
0x7a: {  	_ =	shalt  }
0x7b: {  	_ =	shalt  }
0x7c: {  	_ =	shalt  }
0x7d: {  	_ =	shalt  }
0x7e: {  	_ =	shalt  }
0x7f: {  	_ =	shalt  }
0x80: {  	_ =	shalt  }
0x81: {  	_ =	shalt  }
0x82: {  	_ =	shalt  }
0x83: {  	_ =	shalt  }
0x84: {  	_ =	shalt  }
0x85: {  	_ =	shalt  }
0x86: {  	_ =	shalt  }
0x87: {  	_ =	shalt  }
.Lfunc_end0:
.L_simem_size_0:
called_computation_lowered:
.L_overlay_start_0:
0x88: {  	s2 =	sld [smem:$0x3FD9]  }
0x89: {  	s3 =	sld [smem:$0x3FFE];
	_ =	sdelay $0x1  }
0x8a: {  	s1 =	srdreg.scid  }
0x8b: {  	s0 =	sand.u32 $0x1, s1  }
0x8c: {  	s17 =	sshll.u32 s0, $0xA;
	s2 =	sadd.s32 s3, s2  }
0x8d: {  	s2 =	sadd.s32 s2, s17  }
0x8e: {  	[smem:$0x3FC2] =	sst s2  }
0x8f: {  	_ = 	snop  }
0x90: {  	s2 =	sld [smem:$0x3FC6]  }
0x91: {  	s18 =	sld [smem:$0x3FD0];
	(tm) =	ssettm $0x1  }
0x92: {  	s4 =	sld [smem:$0x3FFB];
	_ =	sdelay $0x3  }
0x93: {  	_ =	strace s4  }
0x94: {  	s4 =	sld [smem:$0x3FFC];
	_ =	sdelay $0x3  }
0x95: {  	_ =	strace s4  }
0x96: {  	s4 =	sld [smem:$0x3FFD];
	_ =	sdelay $0x3  }
0x97: {  	_ =	strace s4  }
0x98: {  	_ =	strace $0x8FFFFFFF  }
0x99: {  	s19 =	sld [smem:$0x3FDB];
	_ =	sdelay $0x1  }
0x9a: {  	s5 =	simm.s32 $_scs_section_size  }
0x9b: {  	s6 =	simm.s32 $_size__tile_overlayer_lowered;
	s7 =	simm.s32 $_tile_overlayer_lowered  }
0x9c: {  	s22 =	simm.s32 $0x1BFF;
	s21 =	sshll.u32 s7, $0x1;
	s4 =	sadd.s32 s5, s19  }
0x9d: {  	s8 =	simm.s32 $0x0;
	s20 =	sshll.u32 s6, $0x1;
	s6 =	sadd.s32 s21, s4  }
0x9e: {  	[timem:s8], [sflag:s22] =	dma.local [hbm:s6], s20  }
0x9f: {  	_ =	swait.ge [sflag:s22], s20  }
0xa0: {  	s5 =	ssub.s32 $0x0, s20;
	[sflag:s22] =	ssyncset.done $0x0  }
0xa1: {  	[sflag:s22] =	ssyncadd.s32 s5;
	_ =	sdelay $0x1  }
0xa2: {  	s23 =	simm.s32 $0x1B8B  }
0xa3: {  	_ =	swait.ge [sflag:s23], $0x1  }
0xa4: {  	[sflag:s23] =	ssyncset.done $0x0  }
0xa5: {  	s25 =	simm.s32 $0x1B8E;
	s24 =	sld [smem:$0x3FFE];
	[sflag:s23] =	ssyncadd.s32 $0xFFFFFFFF  }
0xa6: {  	s26 =	simm.s32 $execute0_lowered;
	[smem:$0x3FD2] =	sst s25  }
0xa7: {  	s6 =	sshll.u32 s26, $0x1;
	_ =	strace $0x80000046;
	[dreg:$0x1] =	wrdreg $0xFFFFFFFF  }
0xa8: {  	s28 =	simm.s32 $_size_execute0_lowered;
	s4 =	sadd.s32 s4, s6;
	[dreg:$0x0] =	wrdreg $0x0  }
0xa9: {  	s6 =	sshll.u32 s28, $0x1;
	[dreg:$0x2] =	wrdreg s4  }
0xaa: {  	[dreg:$0x3] =	wrdreg s6  }
0xab: {  	[dreg:$0x4] =	wrdreg $0xC0  }
0xac: {  	_ =	task [dreg:s8], $0x5FFFF  }
0xad: {  	[dreg:$0x1] =	wrdreg $0xFFFFFFFF  }
0xae: {  	[dreg:$0x0] =	wrdreg $0x60  }
0xaf: {  	[dreg:$0x2] =	wrdreg s2  }
0xb0: {  	[dreg:$0x3] =	wrdreg s24  }
0xb1: {  	[dreg:$0x4] =	wrdreg s18  }
0xb2: {  	[dreg:$0x5] =	wrdreg $0x9  }
0xb3: {  	_ =	task.clear_ibuf [dreg:s8], $0x6FFFF;
	_ =	strace $0x90000046  }
0xb4: {  	s29 =	simm.s32 $0x9;
	_ =	strace $0x80000048  }
0xb5: {  	_ =	swait.ge [sflag:s29], $0x1  }
0xb6: {  	[sflag:s29] =	ssyncadd.s32 $0xFFFFFFFF  }
0xb7: {  	_ =	strace $0x90000048  }
0xb8: {  	_ =	sfence  }
0xb9: {  	s30 =	sld [smem:$0x0];
	_ =	sdelay $0x2  }
0xba: {  	s31 =	sshll.u32 s1, $0xD;
	s1 =	sshrl.u32 s1, $0x2  }
0xbb: {  	s3 =	sand.u32 $0x4000, s31;
	s1 =	sadd.s32 s1, s30  }
0xbc: {  	s0 =	sor.u32 s3, s0;
	s1 =	sshll.u32 s1, $0x11  }
0xbd: {  	s0 =	sor.u32 s1, s0  }
0xbe: {  	s0 =	sadd.s32 $0x8F2B, s0  }
0xbf: {  	[sflag:s0] =	ssyncadd.remote.s32 $0x1  }
0xc0: {  	_ =	sfence.sel $0xFFFF  }
0xc1: {  	[dreg:$0x0] =	wrdreg $0xFFFFFFFF;
	(pc) =	sbr.abs _section_cstart, $3  }
0xc2: {  	[dreg:$0x1] =	wrdreg $0xFFFFFFFF  }
0xc3: {  	_ =	task.clear_ibuf [dreg:s8], $0x2FFFF;
	_ =	strace $0x9FFFFFFF  }
0xc4: {  	(tm) =	ssettm $0x7FFFFFFF  }
0xc5: {  	_ =	shalt  }
tec
execute0_lowered:
.L_overlay_start_1:
0x0: {  	(tag) =	ssettag $0x1  }
0x1: {  	s1 =	rddreg [dreg:$0x0]  }
0x2: {  	s4 =	rddreg [dreg:$0x1]  }
0x3: {  	s0 =	srdreg.scid;
	s17 =	rddreg [dreg:$0x2]  }
0x4: {  	s15 =	stileid.u32;
	s16 =	rddreg [dreg:$0x3]  }
0x5: {  	s18 =	simm.s32 $0x0;
	s5 =	sand.u32 $0x1, s0;
	s9 =	sshll.u32 s15, $0x1  }
0x6: {  	p3 =	por $0x0, $0x0;
	[smem:$0x7FF] =	sst s18;
	s0 =	sor.u32 s5, s9  }
0x7: {  	s10 =	sadd.s32 $0x2000, s4;
	p1 =	sgt.u32 s15, $0x5;
	s3 =	smul.u32 $0x45500, s0  }
0x8: {  	_ =	strace $0x80000047;
	[dreg:$0x4] =	wrdreg s10;
	s5 =	ssub.s32 $0x2, s5  }
0x9: {  	p0 =	slt.u32 @p1 s15, $0xE;
	s10 =	smul.u32 $0xC80, s0;
	s6 =	sshrl.u32 s3, $0x3  }
0xa: {  	p2 =	por p0, !p1;
	p0 =	sgt.u32 s0, $0x18;
	s7 =	sadd.s32 $0x71600, s6  }
0xb: {  	s3 =	sadd.s32 $0xE600, s4;
	s9 =	sadd.s32 $0x73220, s6;
	s8 =	sadd.s32 s1, s7  }
0xc: {  	s10 =	sshrl.u32 s10, $0x3;
	s11 =	sadd.s32 s1, s9;
	[dreg:$0x5] =	wrdreg s8  }
0xd: {  	s12 =	sadd.s32 $0x74E40, s6;
	s7 =	sadd.s32 s3, s7;
	[dreg:$0x6] =	wrdreg s11  }
0xe: {  	s19 =	sadd.s32 $0x76A60, s6;
	s13 =	sadd.s32 s1, s12;
	[dreg:$0x7] =	wrdreg s7  }
0xf: {  	s6 =	sadd.s32 $0x78680, s6;
	s14 =	sadd.s32 s3, s9;
	[dreg:$0x8] =	wrdreg s13  }
0x10: {  	s10 =	sadd.s32 s10, s4;
	s20 =	sadd.s32 s1, s19;
	[dreg:$0x9] =	wrdreg s14  }
0x11: {  	s21 =	sadd.s32 s3, s12;
	s22 =	sadd.s32 s1, s6;
	[dreg:$0xa] =	wrdreg s20  }
0x12: {  	s23 =	sadd.s32 s3, s19;
	s12 =	smul.u32 $0x7D, s0;
	[dreg:$0xb] =	wrdreg s21  }
0x13: {  	s6 =	sadd.s32 s3, s6;
	s8 =	smul.u32 $0x7D00, s0;
	[dreg:$0xc] =	wrdreg s22  }
0x14: {  	s9 =	sadd.s32 $0xBE00, s10;
	s11 =	smul.u32 $0x45600, s0;
	[dreg:$0xd] =	wrdreg s23  }
0x15: {  	[dreg:$0xe] =	wrdreg s6;
	s22 =	sshrl.u32 s5, $0x1;
	s4 =	sadd.s32 s12, s4  }
0x16: {  	s5 =	ssub.s32 s5, s22;
	s6 =	rddreg [dreg:$0x5];
	s24 =	sadd.s32 $0xFFF25400, s8  }
0x17: {  	s28 =	sshrl.u32 s11, $0x3;
	s12 =	sadd.s32 $0x1000, s4;
	s25 =	sshrl.u32 s24, $0x3  }
0x18: {  	s30 =	sadd.s32 $0x71480, s28;
	s11 =	sadd.s32 $0x730A0, s28;
	s26 =	sadd.s32 s1, s25  }
0x19: {  	s13 =	sadd.s32 $0x74CC0, s28;
	s29 =	sadd.s32 s3, s25;
	[dreg:$0xf] =	wrdreg s26  }
0x1a: {  	s20 =	sadd.s32 $0x768E0, s28;
	s31 =	sadd.s32 s1, s30;
	[dreg:$0x10] =	wrdreg s29  }
0x1b: {  	s24 =	sadd.s32 $0x78500, s28;
	s2 =	sadd.s32 s1, s11;
	[dreg:$0x11] =	wrdreg s31  }
0x1c: {  	s7 =	sadd.s32 s3, s30;
	s14 =	sadd.s32 s1, s13;
	[dreg:$0x12] =	wrdreg s2  }
0x1d: {  	s19 =	sadd.s32 s3, s11;
	s21 =	sadd.s32 s1, s20;
	[dreg:$0x13] =	wrdreg s7  }
0x1e: {  	s23 =	sadd.s32 s3, s13;
	s25 =	smul.u32 $0x19000, s0;
	[dreg:$0x14] =	wrdreg s14  }
0x1f: {  	s1 =	sadd.s32 s1, s24;
	[dreg:$0x15] =	wrdreg s19;
	s31 =	smax.u32 s5, $0x1  }
0x20: {  	s22 =	sadd.s32 s3, s24;
	[dreg:$0x16] =	wrdreg s21;
	s4 =	sadd.s32 $0xFFFFFFFF, s31  }
0x21: {  	s30 =	sshrl.u32 s8, $0x3;
	[dreg:$0x17] =	wrdreg s23;
	p4 =	sne.s32 s4, $0x0  }
.Ltmp0:
0x22: {  	s11 =	simm.s32 $0xC80;
	[dreg:$0x18] =	wrdreg s1;
	(pc) =	sbr.rel @!p4 .LBB2_1-.Ltmp0, $4  }
0x23: {  	s26 =	sadd.s32 s3, s20;
	s2 =	sadd.s32 $0xBEC8, s10;
	s1 =	sadd.s32 s3, s30  }
0x24: {  	s5 =	simm.s32 $0x4;
	s14 =	simm.s32 $0x3E8;
	s28 =	sshrl.u32 s25, $0x3  }
0x25: {  	s10 =	simm.s32 $0x2;
	[dreg:$0x19] =	wrdreg s26;
	s29 =	sadd.s32 s3, s28  }
0x26: {  	s8 =	sadd.s32 $0x52080, s1;
	s7 =	sadd.s32 $0x3E80, s29;
	s13 =	sadd.s32 $0x5780, s29  }
0x27: {  	s15 =	simm.s32 @p1 $0x0;
	s16 =	simm.s32 @p1 $0xC80;
	s0 =	rddreg [dreg:$0x6]  }
0x28: {  	[tilespmem:s16], [sflag:$0x1] =	stream.linear.gather @p1 [hbm4b:s6+s15], $0xE100, $0x38;
	[tilespmem:$0x1CE80] =	vst v63  }
0x29: {  	s10 =	smov.u32 s17;
	s17 =	simm.s32 @p1 $0xED80;
	s18 =	simm.s32 @p1 $0x1  }
0x2a: {  	[tilespmem:s17], [sflag:$0x1] =	stream.linear.gather @p1 [hbm4b:s0+s15], $0xE100, $0x38;
	[tilespmem:$0x1CE80] =	vst v63  }
0x2b: {  	_ =	swait.ge @p1 [sflag:s18], $0xE100  }
0x2c: {  	[sflag:s18] =	ssyncset.done @p1 $0x0  }
0x2d: {  	s19 =	simm.s32 @p1 $0x3;
	s0 =	rddreg [dreg:$0x7];
	[sflag:s18] =	ssyncadd.s32 @p1 $0xFFFF1F00  }
0x2e: {  	[hbm4b:s0+s15] =	stream.linear.scatter @p1 [tilespmem:s16], [sflag:$0x3], $0xE100, $0x38;
	[tilespmem:$0x1CE80] =	vst v63  }
0x2f: {  	_ =	swait.ge @p1 [sflag:s19], $0xE100  }
0x30: {  	[sflag:s19] =	ssyncset.done @p1 $0x0  }
0x31: {  	s0 =	rddreg [dreg:$0x8];
	[sflag:s19] =	ssyncadd.s32 @p1 $0xFFFF1F00  }
0x32: {  	[tilespmem:s16], [sflag:$0x1] =	stream.linear.gather @p1 [hbm4b:s0+s15], $0xE100, $0x38;
	[tilespmem:$0x1CE80] =	vst v63  }
0x33: {  	_ =	swait.ge @p1 [sflag:s18], $0xE100  }
0x34: {  	[sflag:s18] =	ssyncset.done @p1 $0x0  }
0x35: {  	s0 =	rddreg [dreg:$0x9];
	[sflag:s18] =	ssyncadd.s32 @p1 $0xFFFF1F00  }
0x36: {  	[hbm4b:s0+s15] =	stream.linear.scatter @p1 [tilespmem:s17], [sflag:$0x3], $0xE100, $0x38;
	[tilespmem:$0x1CE80] =	vst v63  }
0x37: {  	_ =	swait.ge @p1 [sflag:s19], $0xE100  }
0x38: {  	[sflag:s19] =	ssyncset.done @p1 $0x0  }
0x39: {  	s0 =	rddreg [dreg:$0xa];
	[sflag:s19] =	ssyncadd.s32 @p1 $0xFFFF1F00  }
0x3a: {  	[tilespmem:s17], [sflag:$0x1] =	stream.linear.gather @p1 [hbm4b:s0+s15], $0xE100, $0x38;
	[tilespmem:$0x1CE80] =	vst v63  }
0x3b: {  	_ =	swait.ge @p1 [sflag:s18], $0xE100  }
0x3c: {  	[sflag:s18] =	ssyncset.done @p1 $0x0  }
0x3d: {  	s0 =	rddreg [dreg:$0xb];
	[sflag:s18] =	ssyncadd.s32 @p1 $0xFFFF1F00  }
0x3e: {  	[hbm4b:s0+s15] =	stream.linear.scatter @p1 [tilespmem:s16], [sflag:$0x3], $0xE100, $0x38;
	[tilespmem:$0x1CE80] =	vst v63  }
0x3f: {  	_ =	swait.ge @p1 [sflag:s19], $0xE100  }
0x40: {  	[sflag:s19] =	ssyncset.done @p1 $0x0  }
0x41: {  	s0 =	rddreg [dreg:$0xc];
	[sflag:s19] =	ssyncadd.s32 @p1 $0xFFFF1F00  }
0x42: {  	[tilespmem:s16], [sflag:$0x1] =	stream.linear.gather @p1 [hbm4b:s0+s15], $0xD100, $0x38;
	[tilespmem:$0x1CE80] =	vst v63  }
0x43: {  	_ =	swait.ge @p1 [sflag:s18], $0xE100  }
0x44: {  	[sflag:s18] =	ssyncset.done @p1 $0x0  }
0x45: {  	s0 =	rddreg [dreg:$0xd];
	[sflag:s18] =	ssyncadd.s32 @p1 $0xFFFF1F00  }
0x46: {  	[hbm4b:s0+s15] =	stream.linear.scatter @p1 [tilespmem:s17], [sflag:$0x3], $0xE100, $0x38;
	[tilespmem:$0x1CE80] =	vst v63  }
0x47: {  	_ =	swait.ge @p1 [sflag:s19], $0xE100  }
0x48: {  	[sflag:s19] =	ssyncset.done @p1 $0x0  }
0x49: {  	[sflag:s19] =	ssyncadd.s32 @p1 $0xFFFF1F00  }
0x4a: {  	_ =	swait.ge @p1 [sflag:s18], $0xD100  }
0x4b: {  	[sflag:s18] =	ssyncset.done @p1 $0x0  }
0x4c: {  	s0 =	rddreg [dreg:$0xe];
	[sflag:s18] =	ssyncadd.s32 @p1 $0xFFFF2F00  }
0x4d: {  	[hbm4b:s0+s15] =	stream.linear.scatter @p1 [tilespmem:s16], [sflag:$0x3], $0xD100, $0x38;
	[tilespmem:$0x1CE80] =	vst v63  }
0x4e: {  	_ =	swait.ge @p1 [sflag:s19], $0xD100  }
0x4f: {  	s20 =	simm.s32 @!p2 $0x1;
	s1 =	simm.s32 @!p2 $0x0;
	[sflag:s19] =	ssyncset.done @p1 $0x0  }
0x50: {  	s3 =	simm.s32 @!p2 $0xC80;
	s0 =	rddreg [dreg:$0xf];
	[sflag:s19] =	ssyncadd.s32 @p1 $0xFFFF2F00  }
0x51: {  	[tilespmem:s3], [sflag:$0x1] =	stream.linear.gather @!p2 [hbm4b:s0+s1], $0x7D00, $0x38;
	[tilespmem:$0x1CE80] =	vst v63  }
0x52: {  	_ =	swait.ge @!p2 [sflag:s20], $0x7D00  }
0x53: {  	[sflag:s20] =	ssyncset.done @!p2 $0x0  }
0x54: {  	s23 =	simm.s32 @!p2 $0x3;
	s0 =	rddreg [dreg:$0x10];
	[sflag:s20] =	ssyncadd.s32 @!p2 $0xFFFF8300  }
0x55: {  	[hbm4b:s0+s1] =	stream.linear.scatter @!p2 [tilespmem:s3], [sflag:$0x3], $0x7D00, $0x38;
	[tilespmem:$0x1CE80] =	vst v63  }
0x56: {  	_ =	swait.ge @!p2 [sflag:s23], $0x7D00  }
0x57: {  	s24 =	simm.s32 @!p1 $0xC80;
	[sflag:s23] =	ssyncset.done @!p2 $0x0  }
0x58: {  	s25 =	simm.s32 @!p1 $0x0;
	s0 =	rddreg [dreg:$0x11];
	[sflag:s23] =	ssyncadd.s32 @!p2 $0xFFFF8300  }
0x59: {  	[tilespmem:s24], [sflag:$0x1] =	stream.linear.gather @!p1 [hbm4b:s0+s25], $0xE100, $0x38;
	[tilespmem:$0x1CE80] =	vst v63  }
0x5a: {  	s26 =	simm.s32 @!p1 $0xED80;
	s28 =	simm.s32 @!p1 $0x1;
	s1 =	rddreg [dreg:$0x12]  }
0x5b: {  	[tilespmem:s26], [sflag:$0x1] =	stream.linear.gather @!p1 [hbm4b:s1+s25], $0xE100, $0x38;
	[tilespmem:$0x1CE80] =	vst v63  }
0x5c: {  	_ =	swait.ge @!p1 [sflag:s28], $0xE100  }
0x5d: {  	[sflag:s28] =	ssyncset.done @!p1 $0x0  }
0x5e: {  	s29 =	simm.s32 @!p1 $0x3;
	s0 =	rddreg [dreg:$0x13];
	[sflag:s28] =	ssyncadd.s32 @!p1 $0xFFFF1F00  }
0x5f: {  	[hbm4b:s0+s25] =	stream.linear.scatter @!p1 [tilespmem:s24], [sflag:$0x3], $0xE100, $0x38;
	[tilespmem:$0x1CE80] =	vst v63  }
0x60: {  	_ =	swait.ge @!p1 [sflag:s29], $0xE100  }
0x61: {  	[sflag:s29] =	ssyncset.done @!p1 $0x0  }
0x62: {  	s0 =	rddreg [dreg:$0x14];
	[sflag:s29] =	ssyncadd.s32 @!p1 $0xFFFF1F00  }
0x63: {  	[tilespmem:s24], [sflag:$0x1] =	stream.linear.gather @!p1 [hbm4b:s0+s25], $0xE100, $0x38;
	[tilespmem:$0x1CE80] =	vst v63  }
0x64: {  	_ =	swait.ge @!p1 [sflag:s28], $0xE100  }
0x65: {  	[sflag:s28] =	ssyncset.done @!p1 $0x0  }
0x66: {  	s0 =	rddreg [dreg:$0x15];
	[sflag:s28] =	ssyncadd.s32 @!p1 $0xFFFF1F00  }
0x67: {  	[hbm4b:s0+s25] =	stream.linear.scatter @!p1 [tilespmem:s26], [sflag:$0x3], $0xE100, $0x38;
	[tilespmem:$0x1CE80] =	vst v63  }
0x68: {  	_ =	swait.ge @!p1 [sflag:s29], $0xE100  }
0x69: {  	[sflag:s29] =	ssyncset.done @!p1 $0x0  }
0x6a: {  	s0 =	rddreg [dreg:$0x16];
	[sflag:s29] =	ssyncadd.s32 @!p1 $0xFFFF1F00  }
0x6b: {  	[tilespmem:s26], [sflag:$0x1] =	stream.linear.gather @!p1 [hbm4b:s0+s25], $0xE100, $0x38;
	[tilespmem:$0x1CE80] =	vst v63  }
0x6c: {  	_ =	swait.ge @!p1 [sflag:s28], $0xE100  }
0x6d: {  	[sflag:s28] =	ssyncset.done @!p1 $0x0  }
0x6e: {  	s0 =	rddreg [dreg:$0x17];
	[sflag:s28] =	ssyncadd.s32 @!p1 $0xFFFF1F00  }
0x6f: {  	[hbm4b:s0+s25] =	stream.linear.scatter @!p1 [tilespmem:s24], [sflag:$0x3], $0xE100, $0x38;
	[tilespmem:$0x1CE80] =	vst v63  }
0x70: {  	_ =	swait.ge @!p1 [sflag:s29], $0xE100  }
0x71: {  	[sflag:s29] =	ssyncset.done @!p1 $0x0  }
0x72: {  	s0 =	rddreg [dreg:$0x18];
	[sflag:s29] =	ssyncadd.s32 @!p1 $0xFFFF1F00  }
0x73: {  	[tilespmem:s24], [sflag:$0x1] =	stream.linear.gather @!p1 [hbm4b:s0+s25], $0xD200, $0x38;
	[tilespmem:$0x1CE80] =	vst v63  }
0x74: {  	_ =	swait.ge @!p1 [sflag:s28], $0xE100  }
0x75: {  	[sflag:s28] =	ssyncset.done @!p1 $0x0  }
0x76: {  	s0 =	rddreg [dreg:$0x19];
	[sflag:s28] =	ssyncadd.s32 @!p1 $0xFFFF1F00  }
0x77: {  	[hbm4b:s0+s25] =	stream.linear.scatter @!p1 [tilespmem:s26], [sflag:$0x3], $0xE100, $0x38;
	[tilespmem:$0x1CE80] =	vst v63  }
0x78: {  	_ =	swait.ge @!p1 [sflag:s29], $0xE100  }
0x79: {  	[sflag:s29] =	ssyncset.done @!p1 $0x0  }
0x7a: {  	[sflag:s29] =	ssyncadd.s32 @!p1 $0xFFFF1F00  }
0x7b: {  	_ =	swait.ge @!p1 [sflag:s28], $0xD200  }
0x7c: {  	[sflag:s28] =	ssyncset.done @!p1 $0x0  }
0x7d: {  	[sflag:s28] =	ssyncadd.s32 @!p1 $0xFFFF2E00  }
0x7e: {  	[hbm4b:s22+s25] =	stream.linear.scatter @!p1 [tilespmem:s24], [sflag:$0x3], $0xD200, $0x38;
	[tilespmem:$0x1CE80] =	vst v63  }
0x7f: {  	_ =	swait.ge @!p1 [sflag:s29], $0xD200  }
0x80: {  	[sflag:s29] =	ssyncset.done @!p1 $0x0  }
0x81: {  	s30 =	simm.s32 @!p0 $0x0;
	s31 =	simm.s32 @!p0 $0x4;
	[sflag:s29] =	ssyncadd.s32 @!p1 $0xFFFF2E00  }
0x82: {  	[tilespmem:s30], [sflag:$0x4] =	stream.linear.gather @!p0 [hbm4b:s9+s30], $0x640, $0x38;
	[tilespmem:$0x1CE80] =	vst v63  }
0x83: {  	_ =	swait.ge @!p0 [sflag:s31], $0x640  }
0x84: {  	[sflag:s31] =	ssyncset.done @!p0 $0x0  }
0x85: {  	s1 =	simm.s32 @!p0 $0x640;
	[sflag:s31] =	ssyncadd.s32 @!p0 $0xFFFFF9C0  }
0x86: {  	[tilespmem:s1], [sflag:$0x4] =	stream.linear.gather @!p0 [hbm4b:s2+s30], $0x640, $0x38;
	[tilespmem:$0x1CE80] =	vst v63  }
0x87: {  	_ =	swait.ge @!p0 [sflag:s31], $0x640  }
0x88: {  	[sflag:s31] =	ssyncset.done @!p0 $0x0  }
0x89: {  	s0 =	simm.s32 @!p0 $0xC80;
	[dreg:$0x1a] =	wrdreg s22;
	[sflag:s31] =	ssyncadd.s32 @!p0 $0xFFFFF9C0  }
0x8a: {  	[tilespmem:s0], [sflag:$0x2] =	stream.indirect.gather @!p0 [hbm4b:s10+s1], $0x20, s30, s1, $0xb8;
	[tilespmem:$0x1CE80] =	vst v63  }
0x8b: {  	s3 =	simm.s32 @!p0 $0x2;
	[dreg:$0x1b] =	wrdreg s9;
	s9 =	simm.s32 @!p0 $0xED80  }
0x8c: {  	[tilespmem:s9], [sflag:$0x2] =	stream.indirect.gather @!p0 [hbm4b:s10+s1], $0x20, s1, s1, $0xb8;
	[tilespmem:$0x1CE80] =	vst v63  }
0x8d: {  	_ =	swait.ge @!p0 [sflag:s3], $0xC800  }
0x8e: {  	[sflag:s3] =	ssyncset.done @!p0 $0x0  }
0x8f: {  	s6 =	smov.u32 s7;
	[sflag:s3] =	ssyncadd.s32 @!p0 $0xFFFF3800  }
0x90: {  	[hbm4b:s6+s30] =	stream.linear.scatter @!p0 [tilespmem:s0], [sflag:$0x4], $0xC800, $0x38;
	[tilespmem:$0x1CE80] =	vst v63  }
0x91: {  	_ =	swait.ge @!p0 [sflag:s31], $0xC800  }
0x92: {  	[sflag:s31] =	ssyncset.done @!p0 $0x0  }
0x93: {  	[sflag:s31] =	ssyncadd.s32 @!p0 $0xFFFF3800  }
0x94: {  	_ =	swait.ge @!p0 [sflag:s3], $0xC800  }
0x95: {  	[sflag:s3] =	ssyncset.done @!p0 $0x0  }
0x96: {  	[sflag:s3] =	ssyncadd.s32 @!p0 $0xFFFF3800  }
0x97: {  	[hbm4b:s13+s30] =	stream.linear.scatter @!p0 [tilespmem:s9], [sflag:$0x4], $0xC800, $0x38;
	[tilespmem:$0x1CE80] =	vst v63  }
0x98: {  	_ =	swait.ge @!p0 [sflag:s31], $0xC800  }
0x99: {  	[sflag:s31] =	ssyncset.done @!p0 $0x0  }
0x9a: {  	s7 =	simm.s32 $0x0;
	[sflag:s31] =	ssyncadd.s32 @!p0 $0xFFFF3800  }
0x9b: {  	[tilespmem:s7], [sflag:$0x4] =	stream.linear.gather [hbm4b:s12+s7], $0x3E8, $0x38;
	[tilespmem:$0x1CE80] =	vst v63  }
0x9c: {  	_ =	swait.ge [sflag:s5], $0x3E8  }
0x9d: {  	s21 =	simm.s32 $0x2;
	[sflag:s5] =	ssyncset.done $0x0  }
0x9e: {  	s4 =	sadd.s32 $0xFFFFFFFF, s4;
	s22 =	rddreg [dreg:$0x4];
	[sflag:s5] =	ssyncadd.s32 $0xFFFFFC18  }
0x9f: {  	[tilespmem:s11], [sflag:$0x2] =	stream.indirect.gather [hbm4b:s22+s14], $0x20, s7, s14, $0xb8;
	[tilespmem:$0x1CE80] =	vst v63  }
0xa0: {  	p4 =	sne.s32 s4, $0x0;
	_ =	swait.ge [sflag:s21], $0x7D00  }
.Ltmp1:
0xa1: {  	[sflag:s21] =	ssyncset.done $0x0;
	(pc) =	sbr.rel @!p4 .LBB2_3-.Ltmp1, $4  }
0xa2: {  	[sflag:s21] =	ssyncadd.s32 $0xFFFF8300  }
0xa3: {  	[hbm4b:s8+s7] =	stream.linear.scatter [tilespmem:s11], [sflag:$0x4], $0x7D00, $0x38;
	[tilespmem:$0x1CE80] =	vst v63  }
0xa4: {  	p3 =	por $0x1, $0x1;
	s10 =	smov.u32 s6;
	_ =	swait.ge [sflag:s5], $0x7D00  }
0xa5: {  	s14 =	simm.s32 $0xC80;
	s6 =	rddreg [dreg:$0x5];
	[sflag:s5] =	ssyncset.done $0x0  }
.LBB2_4:
0xa6: {  	[sflag:s5] =	ssyncadd.s32 $0xFFFF8300  }
0xa7: {  	[tilespmem:s16], [sflag:$0x1] =	stream.linear.gather @p1 [hbm4b:s6+s15], $0xE100, $0x38;
	[tilespmem:$0x1CE80] =	vst v63  }
0xa8: {  	s11 =	smov.u32 s8;
	s8 =	rddreg [dreg:$0x6]  }
0xa9: {  	[tilespmem:s17], [sflag:$0x1] =	stream.linear.gather @p1 [hbm4b:s8+s15], $0xE100, $0x38;
	[tilespmem:$0x1CE80] =	vst v63  }
0xaa: {  	_ =	swait.ge @p1 [sflag:s18], $0xE100  }
0xab: {  	[sflag:s18] =	ssyncset.done @p1 $0x0  }
0xac: {  	s6 =	rddreg [dreg:$0x7];
	[sflag:s18] =	ssyncadd.s32 @p1 $0xFFFF1F00  }
0xad: {  	[hbm4b:s6+s15] =	stream.linear.scatter @p1 [tilespmem:s16], [sflag:$0x3], $0xE100, $0x38;
	[tilespmem:$0x1CE80] =	vst v63  }
0xae: {  	_ =	swait.ge @p1 [sflag:s19], $0xE100  }
0xaf: {  	[sflag:s19] =	ssyncset.done @p1 $0x0  }
0xb0: {  	s6 =	rddreg [dreg:$0x8];
	[sflag:s19] =	ssyncadd.s32 @p1 $0xFFFF1F00  }
0xb1: {  	[tilespmem:s16], [sflag:$0x1] =	stream.linear.gather @p1 [hbm4b:s6+s15], $0xE100, $0x38;
	[tilespmem:$0x1CE80] =	vst v63  }
0xb2: {  	_ =	swait.ge @p1 [sflag:s18], $0xE100  }
0xb3: {  	[sflag:s18] =	ssyncset.done @p1 $0x0  }
0xb4: {  	s6 =	rddreg [dreg:$0x9];
	[sflag:s18] =	ssyncadd.s32 @p1 $0xFFFF1F00  }
0xb5: {  	[hbm4b:s6+s15] =	stream.linear.scatter @p1 [tilespmem:s17], [sflag:$0x3], $0xE100, $0x38;
	[tilespmem:$0x1CE80] =	vst v63  }
0xb6: {  	_ =	swait.ge @p1 [sflag:s19], $0xE100  }
0xb7: {  	[sflag:s19] =	ssyncset.done @p1 $0x0  }
0xb8: {  	s6 =	rddreg [dreg:$0xa];
	[sflag:s19] =	ssyncadd.s32 @p1 $0xFFFF1F00  }
0xb9: {  	[tilespmem:s17], [sflag:$0x1] =	stream.linear.gather @p1 [hbm4b:s6+s15], $0xE100, $0x38;
	[tilespmem:$0x1CE80] =	vst v63  }
0xba: {  	_ =	swait.ge @p1 [sflag:s18], $0xE100  }
0xbb: {  	[sflag:s18] =	ssyncset.done @p1 $0x0  }
0xbc: {  	s6 =	rddreg [dreg:$0xb];
	[sflag:s18] =	ssyncadd.s32 @p1 $0xFFFF1F00  }
0xbd: {  	[hbm4b:s6+s15] =	stream.linear.scatter @p1 [tilespmem:s16], [sflag:$0x3], $0xE100, $0x38;
	[tilespmem:$0x1CE80] =	vst v63  }
0xbe: {  	_ =	swait.ge @p1 [sflag:s19], $0xE100  }
0xbf: {  	[sflag:s19] =	ssyncset.done @p1 $0x0  }
0xc0: {  	s6 =	rddreg [dreg:$0xc];
	[sflag:s19] =	ssyncadd.s32 @p1 $0xFFFF1F00  }
0xc1: {  	[tilespmem:s16], [sflag:$0x1] =	stream.linear.gather @p1 [hbm4b:s6+s15], $0xD100, $0x38;
	[tilespmem:$0x1CE80] =	vst v63  }
0xc2: {  	_ =	swait.ge @p1 [sflag:s18], $0xE100  }
0xc3: {  	[sflag:s18] =	ssyncset.done @p1 $0x0  }
0xc4: {  	s6 =	rddreg [dreg:$0xd];
	[sflag:s18] =	ssyncadd.s32 @p1 $0xFFFF1F00  }
0xc5: {  	[hbm4b:s6+s15] =	stream.linear.scatter @p1 [tilespmem:s17], [sflag:$0x3], $0xE100, $0x38;
	[tilespmem:$0x1CE80] =	vst v63  }
0xc6: {  	_ =	swait.ge @p1 [sflag:s19], $0xE100  }
0xc7: {  	[sflag:s19] =	ssyncset.done @p1 $0x0  }
0xc8: {  	[sflag:s19] =	ssyncadd.s32 @p1 $0xFFFF1F00  }
0xc9: {  	_ =	swait.ge @p1 [sflag:s18], $0xD100  }
0xca: {  	[sflag:s18] =	ssyncset.done @p1 $0x0  }
0xcb: {  	s6 =	rddreg [dreg:$0xe];
	[sflag:s18] =	ssyncadd.s32 @p1 $0xFFFF2F00  }
0xcc: {  	[hbm4b:s6+s15] =	stream.linear.scatter @p1 [tilespmem:s16], [sflag:$0x3], $0xD100, $0x38;
	[tilespmem:$0x1CE80] =	vst v63  }
0xcd: {  	_ =	swait.ge @p1 [sflag:s19], $0xD100  }
0xce: {  	s22 =	simm.s32 @!p2 $0xC80;
	[sflag:s19] =	ssyncset.done @p1 $0x0  }
0xcf: {  	s8 =	simm.s32 @!p2 $0x0;
	s6 =	rddreg [dreg:$0xf];
	[sflag:s19] =	ssyncadd.s32 @p1 $0xFFFF2F00  }
0xd0: {  	[tilespmem:s22], [sflag:$0x1] =	stream.linear.gather @!p2 [hbm4b:s6+s8], $0x7D00, $0x38;
	[tilespmem:$0x1CE80] =	vst v63  }
0xd1: {  	_ =	swait.ge @!p2 [sflag:s20], $0x7D00  }
0xd2: {  	[sflag:s20] =	ssyncset.done @!p2 $0x0  }
0xd3: {  	s6 =	rddreg [dreg:$0x10];
	[sflag:s20] =	ssyncadd.s32 @!p2 $0xFFFF8300  }
0xd4: {  	[hbm4b:s6+s8] =	stream.linear.scatter @!p2 [tilespmem:s22], [sflag:$0x3], $0x7D00, $0x38;
	[tilespmem:$0x1CE80] =	vst v63  }
0xd5: {  	_ =	swait.ge @!p2 [sflag:s23], $0x7D00  }
0xd6: {  	[sflag:s23] =	ssyncset.done @!p2 $0x0  }
0xd7: {  	s6 =	rddreg [dreg:$0x11];
	[sflag:s23] =	ssyncadd.s32 @!p2 $0xFFFF8300  }
0xd8: {  	[tilespmem:s24], [sflag:$0x1] =	stream.linear.gather @!p1 [hbm4b:s6+s25], $0xE100, $0x38;
	[tilespmem:$0x1CE80] =	vst v63  }
0xd9: {  	s8 =	rddreg [dreg:$0x12]  }
0xda: {  	[tilespmem:s26], [sflag:$0x1] =	stream.linear.gather @!p1 [hbm4b:s8+s25], $0xE100, $0x38;
	[tilespmem:$0x1CE80] =	vst v63  }
0xdb: {  	_ =	swait.ge @!p1 [sflag:s28], $0xE100  }
0xdc: {  	[sflag:s28] =	ssyncset.done @!p1 $0x0  }
0xdd: {  	s6 =	rddreg [dreg:$0x13];
	[sflag:s28] =	ssyncadd.s32 @!p1 $0xFFFF1F00  }
0xde: {  	[hbm4b:s6+s25] =	stream.linear.scatter @!p1 [tilespmem:s24], [sflag:$0x3], $0xE100, $0x38;
	[tilespmem:$0x1CE80] =	vst v63  }
0xdf: {  	_ =	swait.ge @!p1 [sflag:s29], $0xE100  }
0xe0: {  	[sflag:s29] =	ssyncset.done @!p1 $0x0  }
0xe1: {  	s6 =	rddreg [dreg:$0x14];
	[sflag:s29] =	ssyncadd.s32 @!p1 $0xFFFF1F00  }
0xe2: {  	[tilespmem:s24], [sflag:$0x1] =	stream.linear.gather @!p1 [hbm4b:s6+s25], $0xE100, $0x38;
	[tilespmem:$0x1CE80] =	vst v63  }
0xe3: {  	_ =	swait.ge @!p1 [sflag:s28], $0xE100  }
0xe4: {  	[sflag:s28] =	ssyncset.done @!p1 $0x0  }
0xe5: {  	s6 =	rddreg [dreg:$0x15];
	[sflag:s28] =	ssyncadd.s32 @!p1 $0xFFFF1F00  }
0xe6: {  	[hbm4b:s6+s25] =	stream.linear.scatter @!p1 [tilespmem:s26], [sflag:$0x3], $0xE100, $0x38;
	[tilespmem:$0x1CE80] =	vst v63  }
0xe7: {  	_ =	swait.ge @!p1 [sflag:s29], $0xE100  }
0xe8: {  	[sflag:s29] =	ssyncset.done @!p1 $0x0  }
0xe9: {  	s6 =	rddreg [dreg:$0x16];
	[sflag:s29] =	ssyncadd.s32 @!p1 $0xFFFF1F00  }
0xea: {  	[tilespmem:s26], [sflag:$0x1] =	stream.linear.gather @!p1 [hbm4b:s6+s25], $0xE100, $0x38;
	[tilespmem:$0x1CE80] =	vst v63  }
0xeb: {  	_ =	swait.ge @!p1 [sflag:s28], $0xE100  }
0xec: {  	[sflag:s28] =	ssyncset.done @!p1 $0x0  }
0xed: {  	s6 =	rddreg [dreg:$0x17];
	[sflag:s28] =	ssyncadd.s32 @!p1 $0xFFFF1F00  }
0xee: {  	[hbm4b:s6+s25] =	stream.linear.scatter @!p1 [tilespmem:s24], [sflag:$0x3], $0xE100, $0x38;
	[tilespmem:$0x1CE80] =	vst v63  }
0xef: {  	_ =	swait.ge @!p1 [sflag:s29], $0xE100  }
0xf0: {  	[sflag:s29] =	ssyncset.done @!p1 $0x0  }
0xf1: {  	s6 =	rddreg [dreg:$0x18];
	[sflag:s29] =	ssyncadd.s32 @!p1 $0xFFFF1F00  }
0xf2: {  	[tilespmem:s24], [sflag:$0x1] =	stream.linear.gather @!p1 [hbm4b:s6+s25], $0xD200, $0x38;
	[tilespmem:$0x1CE80] =	vst v63  }
0xf3: {  	_ =	swait.ge @!p1 [sflag:s28], $0xE100  }
0xf4: {  	[sflag:s28] =	ssyncset.done @!p1 $0x0  }
0xf5: {  	s6 =	rddreg [dreg:$0x19];
	[sflag:s28] =	ssyncadd.s32 @!p1 $0xFFFF1F00  }
0xf6: {  	[hbm4b:s6+s25] =	stream.linear.scatter @!p1 [tilespmem:s26], [sflag:$0x3], $0xE100, $0x38;
	[tilespmem:$0x1CE80] =	vst v63  }
0xf7: {  	_ =	swait.ge @!p1 [sflag:s29], $0xE100  }
0xf8: {  	[sflag:s29] =	ssyncset.done @!p1 $0x0  }
0xf9: {  	[sflag:s29] =	ssyncadd.s32 @!p1 $0xFFFF1F00  }
0xfa: {  	_ =	swait.ge @!p1 [sflag:s28], $0xD200  }
0xfb: {  	[sflag:s28] =	ssyncset.done @!p1 $0x0  }
0xfc: {  	s6 =	rddreg [dreg:$0x1a];
	[sflag:s28] =	ssyncadd.s32 @!p1 $0xFFFF2E00  }
0xfd: {  	[hbm4b:s6+s25] =	stream.linear.scatter @!p1 [tilespmem:s24], [sflag:$0x3], $0xD200, $0x38;
	[tilespmem:$0x1CE80] =	vst v63  }
0xfe: {  	_ =	swait.ge @!p1 [sflag:s29], $0xD200  }
0xff: {  	[sflag:s29] =	ssyncset.done @!p1 $0x0  }
0x100: {  	s6 =	rddreg [dreg:$0x1b];
	[sflag:s29] =	ssyncadd.s32 @!p1 $0xFFFF2E00  }
0x101: {  	[tilespmem:s30], [sflag:$0x4] =	stream.linear.gather @!p0 [hbm4b:s6+s30], $0x640, $0x38;
	[tilespmem:$0x1CE80] =	vst v63  }
0x102: {  	_ =	swait.ge @!p0 [sflag:s31], $0x640  }
0x103: {  	[sflag:s31] =	ssyncset.done @!p0 $0x0  }
0x104: {  	[sflag:s31] =	ssyncadd.s32 @!p0 $0xFFFFF9C0  }
0x105: {  	[tilespmem:s1], [sflag:$0x4] =	stream.linear.gather @!p0 [hbm4b:s2+s30], $0x640, $0x38;
	[tilespmem:$0x1CE80] =	vst v63  }
0x106: {  	_ =	swait.ge @!p0 [sflag:s31], $0x640  }
0x107: {  	[sflag:s31] =	ssyncset.done @!p0 $0x0  }
0x108: {  	[sflag:s31] =	ssyncadd.s32 @!p0 $0xFFFFF9C0  }
0x109: {  	s6 =	rddreg [dreg:$0x2]  }
0x10a: {  	[tilespmem:s0], [sflag:$0x2] =	stream.indirect.gather @!p0 [hbm4b:s6+s1], $0x20, s30, s1, $0xb8;
	[tilespmem:$0x1CE80] =	vst v63  }
0x10b: {  	_ = 	snop  }
0x10c: {  	[tilespmem:s9], [sflag:$0x2] =	stream.indirect.gather @!p0 [hbm4b:s6+s1], $0x20, s1, s1, $0xb8;
	[tilespmem:$0x1CE80] =	vst v63  }
0x10d: {  	_ =	swait.ge @!p0 [sflag:s3], $0xC800  }
0x10e: {  	[sflag:s3] =	ssyncset.done @!p0 $0x0  }
0x10f: {  	[sflag:s3] =	ssyncadd.s32 @!p0 $0xFFFF3800  }
0x110: {  	[hbm4b:s10+s30] =	stream.linear.scatter @!p0 [tilespmem:s0], [sflag:$0x4], $0xC800, $0x38;
	[tilespmem:$0x1CE80] =	vst v63  }
0x111: {  	_ =	swait.ge @!p0 [sflag:s31], $0xC800  }
0x112: {  	[sflag:s31] =	ssyncset.done @!p0 $0x0  }
0x113: {  	[sflag:s31] =	ssyncadd.s32 @!p0 $0xFFFF3800  }
0x114: {  	_ =	swait.ge @!p0 [sflag:s3], $0xC800  }
0x115: {  	[sflag:s3] =	ssyncset.done @!p0 $0x0  }
0x116: {  	[sflag:s3] =	ssyncadd.s32 @!p0 $0xFFFF3800  }
0x117: {  	[hbm4b:s13+s30] =	stream.linear.scatter @!p0 [tilespmem:s9], [sflag:$0x4], $0xC800, $0x38;
	[tilespmem:$0x1CE80] =	vst v63  }
0x118: {  	_ =	swait.ge @!p0 [sflag:s31], $0xC800  }
0x119: {  	[sflag:s31] =	ssyncset.done @!p0 $0x0  }
0x11a: {  	[sflag:s31] =	ssyncadd.s32 @!p0 $0xFFFF3800  }
0x11b: {  	[tilespmem:s7], [sflag:$0x4] =	stream.linear.gather [hbm4b:s12+s7], $0x3E8, $0x38;
	[tilespmem:$0x1CE80] =	vst v63  }
0x11c: {  	_ =	swait.ge [sflag:s5], $0x3E8  }
0x11d: {  	s4 =	sadd.s32 $0xFFFFFFFF, s4;
	[sflag:s5] =	ssyncset.done $0x0  }
0x11e: {  	s22 =	simm.s32 $0x3E8;
	s6 =	rddreg [dreg:$0x4];
	[sflag:s5] =	ssyncadd.s32 $0xFFFFFC18  }
0x11f: {  	[tilespmem:s14], [sflag:$0x2] =	stream.indirect.gather [hbm4b:s6+s22], $0x20, s7, s22, $0xb8;
	[tilespmem:$0x1CE80] =	vst v63  }
0x120: {  	p4 =	sne.s32 s4, $0x0;
	_ =	swait.ge [sflag:s21], $0x7D00  }
.Ltmp2:
0x121: {  	[sflag:s21] =	ssyncset.done $0x0;
	(pc) =	sbr.rel @p4 .LBB2_4-.Ltmp2, $4  }
0x122: {  	[sflag:s21] =	ssyncadd.s32 $0xFFFF8300  }
0x123: {  	[hbm4b:s11+s7] =	stream.linear.scatter [tilespmem:s14], [sflag:$0x4], $0x7D00, $0x38;
	[tilespmem:$0x1CE80] =	vst v63  }
0x124: {  	_ =	swait.ge [sflag:s5], $0x7D00  }
0x125: {  	s8 =	smov.u32 s11;
	s6 =	rddreg [dreg:$0x5];
	[sflag:s5] =	ssyncset.done $0x0  }
0x126: {  	s16 =	rddreg [dreg:$0x3]  }
0x127: {  	s15 =	stileid.u32;
	s17 =	rddreg [dreg:$0x2]  }
0x128: {  	s14 =	simm.s32 $0x3E8;
	s7 =	smov.u32 s10;
	s9 =	rddreg [dreg:$0x1b]  }
0x129: {  	s18 =	simm.s32 $0x0;
	s10 =	simm.s32 $0x2;
	s22 =	rddreg [dreg:$0x1a]  }
.LBB2_6:
0x12a: {  	[sflag:s5] =	ssyncadd.s32 @p3 $0xFFFF8300;
	s0 =	simm.s32 @p1 $0x0;
	s1 =	simm.s32 @p1 $0xC80  }
0x12b: {  	[tilespmem:s1], [sflag:$0x1] =	stream.linear.gather @p1 [hbm4b:s6+s0], $0xE100, $0x38;
	[tilespmem:$0x1CE80] =	vst v63  }
0x12c: {  	s3 =	rddreg [dreg:$0x6];
	s4 =	simm.s32 @p1 $0xED80;
	s6 =	simm.s32 @p1 $0x1  }
0x12d: {  	[tilespmem:s4], [sflag:$0x1] =	stream.linear.gather @p1 [hbm4b:s3+s0], $0xE100, $0x38;
	[tilespmem:$0x1CE80] =	vst v63  }
0x12e: {  	_ =	swait.ge @p1 [sflag:s6], $0xE100  }
0x12f: {  	[sflag:s6] =	ssyncset.done @p1 $0x0  }
0x130: {  	s8 =	simm.s32 @p1 $0x3;
	s3 =	rddreg [dreg:$0x7];
	[sflag:s6] =	ssyncadd.s32 @p1 $0xFFFF1F00  }
0x131: {  	[hbm4b:s3+s0] =	stream.linear.scatter @p1 [tilespmem:s1], [sflag:$0x3], $0xE100, $0x38;
	[tilespmem:$0x1CE80] =	vst v63  }
0x132: {  	_ =	swait.ge @p1 [sflag:s8], $0xE100  }
0x133: {  	[sflag:s8] =	ssyncset.done @p1 $0x0  }
0x134: {  	s3 =	rddreg [dreg:$0x8];
	[sflag:s8] =	ssyncadd.s32 @p1 $0xFFFF1F00  }
0x135: {  	[tilespmem:s1], [sflag:$0x1] =	stream.linear.gather @p1 [hbm4b:s3+s0], $0xE100, $0x38;
	[tilespmem:$0x1CE80] =	vst v63  }
0x136: {  	_ =	swait.ge @p1 [sflag:s6], $0xE100  }
0x137: {  	[sflag:s6] =	ssyncset.done @p1 $0x0  }
0x138: {  	s3 =	rddreg [dreg:$0x9];
	[sflag:s6] =	ssyncadd.s32 @p1 $0xFFFF1F00  }
0x139: {  	[hbm4b:s3+s0] =	stream.linear.scatter @p1 [tilespmem:s4], [sflag:$0x3], $0xE100, $0x38;
	[tilespmem:$0x1CE80] =	vst v63  }
0x13a: {  	_ =	swait.ge @p1 [sflag:s8], $0xE100  }
0x13b: {  	[sflag:s8] =	ssyncset.done @p1 $0x0  }
0x13c: {  	s3 =	rddreg [dreg:$0xa];
	[sflag:s8] =	ssyncadd.s32 @p1 $0xFFFF1F00  }
0x13d: {  	[tilespmem:s4], [sflag:$0x1] =	stream.linear.gather @p1 [hbm4b:s3+s0], $0xE100, $0x38;
	[tilespmem:$0x1CE80] =	vst v63  }
0x13e: {  	_ =	swait.ge @p1 [sflag:s6], $0xE100  }
0x13f: {  	[sflag:s6] =	ssyncset.done @p1 $0x0  }
0x140: {  	s3 =	rddreg [dreg:$0xb];
	[sflag:s6] =	ssyncadd.s32 @p1 $0xFFFF1F00  }
0x141: {  	[hbm4b:s3+s0] =	stream.linear.scatter @p1 [tilespmem:s1], [sflag:$0x3], $0xE100, $0x38;
	[tilespmem:$0x1CE80] =	vst v63  }
0x142: {  	_ =	swait.ge @p1 [sflag:s8], $0xE100  }
0x143: {  	[sflag:s8] =	ssyncset.done @p1 $0x0  }
0x144: {  	s3 =	rddreg [dreg:$0xc];
	[sflag:s8] =	ssyncadd.s32 @p1 $0xFFFF1F00  }
0x145: {  	[tilespmem:s1], [sflag:$0x1] =	stream.linear.gather @p1 [hbm4b:s3+s0], $0xD100, $0x38;
	[tilespmem:$0x1CE80] =	vst v63  }
0x146: {  	_ =	swait.ge @p1 [sflag:s6], $0xE100  }
0x147: {  	[sflag:s6] =	ssyncset.done @p1 $0x0  }
0x148: {  	s3 =	rddreg [dreg:$0xd];
	[sflag:s6] =	ssyncadd.s32 @p1 $0xFFFF1F00  }
0x149: {  	[hbm4b:s3+s0] =	stream.linear.scatter @p1 [tilespmem:s4], [sflag:$0x3], $0xE100, $0x38;
	[tilespmem:$0x1CE80] =	vst v63  }
0x14a: {  	_ =	swait.ge @p1 [sflag:s8], $0xE100  }
0x14b: {  	[sflag:s8] =	ssyncset.done @p1 $0x0  }
0x14c: {  	[sflag:s8] =	ssyncadd.s32 @p1 $0xFFFF1F00  }
0x14d: {  	_ =	swait.ge @p1 [sflag:s6], $0xD100  }
0x14e: {  	[sflag:s6] =	ssyncset.done @p1 $0x0  }
0x14f: {  	s3 =	rddreg [dreg:$0xe];
	[sflag:s6] =	ssyncadd.s32 @p1 $0xFFFF2F00  }
0x150: {  	[hbm4b:s3+s0] =	stream.linear.scatter @p1 [tilespmem:s1], [sflag:$0x3], $0xD100, $0x38;
	[tilespmem:$0x1CE80] =	vst v63  }
0x151: {  	_ =	swait.ge @p1 [sflag:s8], $0xD100  }
0x152: {  	s4 =	simm.s32 @!p2 $0xC80;
	s1 =	simm.s32 @!p2 $0x1;
	[sflag:s8] =	ssyncset.done @p1 $0x0  }
0x153: {  	s3 =	simm.s32 @!p2 $0x0;
	s0 =	rddreg [dreg:$0xf];
	[sflag:s8] =	ssyncadd.s32 @p1 $0xFFFF2F00  }
0x154: {  	[tilespmem:s4], [sflag:$0x1] =	stream.linear.gather @!p2 [hbm4b:s0+s3], $0x7D00, $0x38;
	[tilespmem:$0x1CE80] =	vst v63  }
0x155: {  	_ =	swait.ge @!p2 [sflag:s1], $0x7D00  }
0x156: {  	[sflag:s1] =	ssyncset.done @!p2 $0x0  }
0x157: {  	s0 =	rddreg [dreg:$0x10];
	[sflag:s1] =	ssyncadd.s32 @!p2 $0xFFFF8300;
	s1 =	simm.s32 @!p2 $0x3  }
0x158: {  	[hbm4b:s0+s3] =	stream.linear.scatter @!p2 [tilespmem:s4], [sflag:$0x3], $0x7D00, $0x38;
	[tilespmem:$0x1CE80] =	vst v63  }
0x159: {  	_ =	swait.ge @!p2 [sflag:s1], $0x7D00  }
0x15a: {  	s3 =	simm.s32 @!p1 $0xC80;
	[sflag:s1] =	ssyncset.done @!p2 $0x0  }
0x15b: {  	s0 =	rddreg [dreg:$0x11];
	[sflag:s1] =	ssyncadd.s32 @!p2 $0xFFFF8300;
	s1 =	simm.s32 @!p1 $0x0  }
0x15c: {  	[tilespmem:s3], [sflag:$0x1] =	stream.linear.gather @!p1 [hbm4b:s0+s1], $0xE100, $0x38;
	[tilespmem:$0x1CE80] =	vst v63  }
0x15d: {  	s6 =	simm.s32 @!p1 $0x1;
	s4 =	rddreg [dreg:$0x12];
	s0 =	simm.s32 @!p1 $0xED80  }
0x15e: {  	[tilespmem:s0], [sflag:$0x1] =	stream.linear.gather @!p1 [hbm4b:s4+s1], $0xE100, $0x38;
	[tilespmem:$0x1CE80] =	vst v63  }
0x15f: {  	_ =	swait.ge @!p1 [sflag:s6], $0xE100  }
0x160: {  	[sflag:s6] =	ssyncset.done @!p1 $0x0  }
0x161: {  	s8 =	simm.s32 @!p1 $0x3;
	s4 =	rddreg [dreg:$0x13];
	[sflag:s6] =	ssyncadd.s32 @!p1 $0xFFFF1F00  }
0x162: {  	[hbm4b:s4+s1] =	stream.linear.scatter @!p1 [tilespmem:s3], [sflag:$0x3], $0xE100, $0x38;
	[tilespmem:$0x1CE80] =	vst v63  }
0x163: {  	_ =	swait.ge @!p1 [sflag:s8], $0xE100  }
0x164: {  	[sflag:s8] =	ssyncset.done @!p1 $0x0  }
0x165: {  	s4 =	rddreg [dreg:$0x14];
	[sflag:s8] =	ssyncadd.s32 @!p1 $0xFFFF1F00  }
0x166: {  	[tilespmem:s3], [sflag:$0x1] =	stream.linear.gather @!p1 [hbm4b:s4+s1], $0xE100, $0x38;
	[tilespmem:$0x1CE80] =	vst v63  }
0x167: {  	_ =	swait.ge @!p1 [sflag:s6], $0xE100  }
0x168: {  	[sflag:s6] =	ssyncset.done @!p1 $0x0  }
0x169: {  	s4 =	rddreg [dreg:$0x15];
	[sflag:s6] =	ssyncadd.s32 @!p1 $0xFFFF1F00  }
0x16a: {  	[hbm4b:s4+s1] =	stream.linear.scatter @!p1 [tilespmem:s0], [sflag:$0x3], $0xE100, $0x38;
	[tilespmem:$0x1CE80] =	vst v63  }
0x16b: {  	_ =	swait.ge @!p1 [sflag:s8], $0xE100  }
0x16c: {  	[sflag:s8] =	ssyncset.done @!p1 $0x0  }
0x16d: {  	s4 =	rddreg [dreg:$0x16];
	[sflag:s8] =	ssyncadd.s32 @!p1 $0xFFFF1F00  }
0x16e: {  	[tilespmem:s0], [sflag:$0x1] =	stream.linear.gather @!p1 [hbm4b:s4+s1], $0xE100, $0x38;
	[tilespmem:$0x1CE80] =	vst v63  }
0x16f: {  	_ =	swait.ge @!p1 [sflag:s6], $0xE100  }
0x170: {  	[sflag:s6] =	ssyncset.done @!p1 $0x0  }
0x171: {  	s4 =	rddreg [dreg:$0x17];
	[sflag:s6] =	ssyncadd.s32 @!p1 $0xFFFF1F00  }
0x172: {  	[hbm4b:s4+s1] =	stream.linear.scatter @!p1 [tilespmem:s3], [sflag:$0x3], $0xE100, $0x38;
	[tilespmem:$0x1CE80] =	vst v63  }
0x173: {  	_ =	swait.ge @!p1 [sflag:s8], $0xE100  }
0x174: {  	[sflag:s8] =	ssyncset.done @!p1 $0x0  }
0x175: {  	s4 =	rddreg [dreg:$0x18];
	[sflag:s8] =	ssyncadd.s32 @!p1 $0xFFFF1F00  }
0x176: {  	[tilespmem:s3], [sflag:$0x1] =	stream.linear.gather @!p1 [hbm4b:s4+s1], $0xD200, $0x38;
	[tilespmem:$0x1CE80] =	vst v63  }
0x177: {  	_ =	swait.ge @!p1 [sflag:s6], $0xE100  }
0x178: {  	[sflag:s6] =	ssyncset.done @!p1 $0x0  }
0x179: {  	s4 =	rddreg [dreg:$0x19];
	[sflag:s6] =	ssyncadd.s32 @!p1 $0xFFFF1F00  }
0x17a: {  	[hbm4b:s4+s1] =	stream.linear.scatter @!p1 [tilespmem:s0], [sflag:$0x3], $0xE100, $0x38;
	[tilespmem:$0x1CE80] =	vst v63  }
0x17b: {  	_ =	swait.ge @!p1 [sflag:s8], $0xE100  }
0x17c: {  	[sflag:s8] =	ssyncset.done @!p1 $0x0  }
0x17d: {  	[sflag:s8] =	ssyncadd.s32 @!p1 $0xFFFF1F00  }
0x17e: {  	_ =	swait.ge @!p1 [sflag:s6], $0xD200  }
0x17f: {  	[sflag:s6] =	ssyncset.done @!p1 $0x0  }
0x180: {  	[sflag:s6] =	ssyncadd.s32 @!p1 $0xFFFF2E00  }
0x181: {  	[hbm4b:s22+s1] =	stream.linear.scatter @!p1 [tilespmem:s3], [sflag:$0x3], $0xD200, $0x38;
	[tilespmem:$0x1CE80] =	vst v63  }
0x182: {  	_ =	swait.ge @!p1 [sflag:s8], $0xD200  }
0x183: {  	[sflag:s8] =	ssyncset.done @!p1 $0x0  }
0x184: {  	s0 =	simm.s32 @!p0 $0x0;
	s1 =	simm.s32 @!p0 $0x4;
	[sflag:s8] =	ssyncadd.s32 @!p1 $0xFFFF2E00  }
0x185: {  	[tilespmem:s0], [sflag:$0x4] =	stream.linear.gather @!p0 [hbm4b:s9+s0], $0x640, $0x38;
	[tilespmem:$0x1CE80] =	vst v63  }
0x186: {  	_ =	swait.ge @!p0 [sflag:s1], $0x640  }
0x187: {  	[sflag:s1] =	ssyncset.done @!p0 $0x0  }
0x188: {  	s3 =	simm.s32 @!p0 $0x640;
	[sflag:s1] =	ssyncadd.s32 @!p0 $0xFFFFF9C0  }
0x189: {  	[tilespmem:s3], [sflag:$0x4] =	stream.linear.gather @!p0 [hbm4b:s2+s0], $0x640, $0x38;
	[tilespmem:$0x1CE80] =	vst v63  }
0x18a: {  	_ =	swait.ge @!p0 [sflag:s1], $0x640  }
0x18b: {  	[sflag:s1] =	ssyncset.done @!p0 $0x0  }
0x18c: {  	s4 =	simm.s32 @!p0 $0xC80;
	[sflag:s1] =	ssyncadd.s32 @!p0 $0xFFFFF9C0  }
0x18d: {  	[tilespmem:s4], [sflag:$0x2] =	stream.indirect.gather @!p0 [hbm4b:s17+s3], $0x20, s0, s3, $0xb8;
	[tilespmem:$0x1CE80] =	vst v63  }
0x18e: {  	s6 =	simm.s32 @!p0 $0xED80;
	s8 =	simm.s32 @!p0 $0x2  }
0x18f: {  	[tilespmem:s6], [sflag:$0x2] =	stream.indirect.gather @!p0 [hbm4b:s17+s3], $0x20, s3, s3, $0xb8;
	[tilespmem:$0x1CE80] =	vst v63  }
0x190: {  	_ =	swait.ge @!p0 [sflag:s8], $0xC800  }
0x191: {  	[sflag:s8] =	ssyncset.done @!p0 $0x0  }
0x192: {  	[sflag:s8] =	ssyncadd.s32 @!p0 $0xFFFF3800  }
0x193: {  	[hbm4b:s7+s0] =	stream.linear.scatter @!p0 [tilespmem:s4], [sflag:$0x4], $0xC800, $0x38;
	[tilespmem:$0x1CE80] =	vst v63  }
0x194: {  	_ =	swait.ge @!p0 [sflag:s1], $0xC800  }
0x195: {  	[sflag:s1] =	ssyncset.done @!p0 $0x0  }
0x196: {  	[sflag:s1] =	ssyncadd.s32 @!p0 $0xFFFF3800  }
0x197: {  	_ =	swait.ge @!p0 [sflag:s8], $0xC800  }
0x198: {  	[sflag:s8] =	ssyncset.done @!p0 $0x0  }
0x199: {  	[sflag:s8] =	ssyncadd.s32 @!p0 $0xFFFF3800  }
0x19a: {  	[hbm4b:s13+s0] =	stream.linear.scatter @!p0 [tilespmem:s6], [sflag:$0x4], $0xC800, $0x38;
	[tilespmem:$0x1CE80] =	vst v63  }
0x19b: {  	_ =	swait.ge @!p0 [sflag:s1], $0xC800  }
0x19c: {  	[sflag:s1] =	ssyncset.done @!p0 $0x0  }
0x19d: {  	[sflag:s1] =	ssyncadd.s32 @!p0 $0xFFFF3800  }
0x19e: {  	[tilespmem:s18], [sflag:$0x4] =	stream.linear.gather [hbm4b:s12+s18], $0x3E8, $0x38;
	[tilespmem:$0x1CE80] =	vst v63  }
0x19f: {  	_ =	swait.ge [sflag:s5], $0x3E8  }
0x1a0: {  	[sflag:s5] =	ssyncset.done $0x0  }
0x1a1: {  	s31 =	simm.s32 $0xC80;
	s30 =	rddreg [dreg:$0x4];
	[sflag:s5] =	ssyncadd.s32 $0xFFFFFC18  }
0x1a2: {  	[tilespmem:s31], [sflag:$0x2] =	stream.indirect.gather [hbm4b:s30+s14], $0x20, s18, s14, $0xb8;
	[tilespmem:$0x1CE80] =	vst v63  }
0x1a3: {  	_ =	swait.ge [sflag:s10], $0x7D00  }
0x1a4: {  	[sflag:s10] =	ssyncset.done $0x0  }
0x1a5: {  	[sflag:s10] =	ssyncadd.s32 $0xFFFF8300  }
0x1a6: {  	[hbm4b:s11+s18] =	stream.linear.scatter [tilespmem:s31], [sflag:$0x4], $0x7D00, $0x38;
	[tilespmem:$0x1CE80] =	vst v63  }
0x1a7: {  	_ =	swait.ge [sflag:s5], $0x7D00  }
0x1a8: {  	[sflag:s5] =	ssyncset.done $0x0  }
0x1a9: {  	[sflag:s5] =	ssyncadd.s32 $0xFFFF8300  }
0x1aa: {  	_ =	sfence.sel $0x180000  }
0x1ab: {  	[bflag:$0x0] =	sbarrier.arrive $0xFFFF  }
0x1ac: {  	p0 =	sne.s32 s15, $0x0;
	_ =	strace $0x90000047  }
0x1ad: {  	s0 =	sadd.s32 @!p0 $0x100000, s16;
	[bflag:$0x2] =	sbarrier.arrive $0xFFFF  }
0x1ae: {  	[sflag:s0] =	ssyncadd.tile.s32 @!p0 $0x1;
	_ =	shalt  }
.LBB2_1:
.Ltmp3:
0x1af: {  	(pc) =	sbr.rel .LBB2_6-.Ltmp3, $2  }
0x1b0: {  	_ =	sdelay $0x2  }
0x1b1: {  	s11 =	smov.u32 s8  }
.LBB2_3:
.Ltmp4:
0x1b2: {  	(pc) =	sbr.rel .LBB2_6-.Ltmp4, $4  }
0x1b3: {  	s16 =	rddreg [dreg:$0x3]  }
0x1b4: {  	s11 =	smov.u32 s8;
	s15 =	stileid.u32;
	s17 =	rddreg [dreg:$0x2]  }
0x1b5: {  	s14 =	simm.s32 $0x3E8;
	s7 =	smov.u32 s10;
	s9 =	rddreg [dreg:$0x1b]  }
0x1b6: {  	s18 =	simm.s32 $0x0;
	s10 =	simm.s32 $0x2;
	s22 =	rddreg [dreg:$0x1a]  }
.Lfunc_end2:
_tile_overlayer_lowered:
.L_overlay_start_2:
0x1b7: {  	(tag) =	ssettag $0x2  }
0x1b8: {  	s0 =	rddreg [dreg:$0x0];
	s2 =	stileid.u32  }
0x1b9: {  	s1 =	rddreg [dreg:$0x1];
	p0 =	sne.s32 s2, $0x0  }
0x1ba: {  	s3 =	rddreg [dreg:$0x2];
	[bflag:$0x3] =	sbarrier.arrive $0xFFFF;
	s2 =	simm.s32 @!p0 $0x1C04  }
0x1bb: {  	[timem:s3], [sflag:s2] =	dma.local @!p0 [hbm:s0], s1  }
0x1bc: {  	s0 =	simm.s32 @!p0 $0x4  }
0x1bd: {  	_ =	swait.ge @!p0 [sflag:s0], s1  }
0x1be: {  	s1 =	ssub.s32 @!p0 $0x0, s1;
	[sflag:s0] =	ssyncset.done @!p0 $0x0  }
0x1bf: {  	[sflag:s0] =	ssyncadd.s32 @!p0 s1  }
0x1c0: {  	[bflag:$0x3] =	sbarrier.arrive $0xFFFF  }
0x1c1: {  	_ =	shalt  }

// kernel: kernel.7.cloned.1.call-start
scs
__scs_entry_jumppad:
0x0: {  	(pc) =	sbr.rel $0x88, $3  }
0x1: {  	(tag) =	ssettag $0x0;
	lr =	simm.s32 $0x1  }
0x2: {  	[smem:$0x3F9B] =	sst lr;
	_ =	strace $0xD0000000  }
0x3: {  	_ = 	snop  }
0x4: {  	_ = 	snop  }
0x5: {  	_ = 	snop  }
0x6: {  	_ = 	snop  }
0x7: {  	_ = 	snop  }
__scs_overlays_trampoline_lowered:
0x8: {  	[smem:$0x3FAA] =	sst s0  }
0x9: {  	[smem:$0x3FAB] =	sst s1  }
0xa: {  	[smem:$0x3FAC] =	sst s2  }
0xb: {  	[smem:$0x3FAD] =	sst s3  }
0xc: {  	[smem:$0x3FAE] =	sst s4  }
0xd: {  	[smem:$0x3FAF] =	sst s5  }
0xe: {  	[smem:$0x3FB0] =	sst s6  }
0xf: {  	[smem:$0x3FB1] =	sst s7  }
0x10: {  	[smem:$0x3FB2] =	sst s8  }
0x11: {  	[smem:$0x3FB3] =	sst s9;
	s0 =	simm.s32 @!p0 $0x0  }
0x12: {  	s1 =	sld [smem:$0x3F99];
	s0 =	simm.s32 @p0 $0x1  }
0x13: {  	[smem:$0x3FB4] =	sst s0;
	s0 =	simm.s32 @!p1 $0x0  }
0x14: {  	s2 =	sld [smem:$0x3F98];
	s0 =	simm.s32 @p1 $0x1  }
0x15: {  	[smem:$0x3FB5] =	sst s0;
	s0 =	simm.s32 @!p2 $0x0  }
0x16: {  	s3 =	sld [smem:$0x3FDB];
	s0 =	simm.s32 @p2 $0x1  }
0x17: {  	s4 =	simm.s32 $0x1BF5;
	[smem:$0x3FB7] =	sst s0  }
0x18: {  	s0 =	sld [smem:$0x3F9A];
	_ =	swait.ge [sflag:s4], $0x0  }
0x19: {  	s7 =	sld [smem:$0x3F9B]  }
0x1a: {  	s8 =	sadd.s32 $0xFFFFE003, lr  }
0x1b: {  	s9 =	sadd.s32 $0xFFFFFEF7, lr;
	s5 =	simm.s32 $0xFFFFFFFF;
	p2 =	slt.u32 s8, $0xFFFFF086  }
0x1c: {  	p1 =	slt.u32 s9, $0xF7A;
	s5 =	simm.s32 @!p2 $0x0  }
0x1d: {  	s5 =	simm.s32 @p1 $0x1;
	p0 =	seq.s32 s7, s2  }
0x1e: {  	s7 =	smul.u32 @!p0 $0xF7A, s2;
	p2 =	seq.s32 @!p0 s5, $0x0  }
0x1f: {  	s9 =	smul.u32 $0xF7A, s1;
	s8 =	simm.s32 @!p0 $0x1BF5;
	p2 =	por !p2, p0  }
0x20: {  	[sflag:s8] =	ssyncset.s32 @!p0 $0xFFFFF086;
	s6 =	sadd.s32 @!p0 s3, s7;
	s7 =	simm.s32 @!p0 $0x108  }
0x21: {  	s3 =	sadd.s32 s3, s9;
	s6 =	sadd.s32 @!p0 $0x88, s6;
	s7 =	simm.s32 @p2 $0x1082  }
0x22: {  	[simem:s7], [sflag:s8] =	dma.local @!p0 [hbm:s6], $0xF7A  }
0x23: {  	s9 =	sor.u32 $0xD0000000, s2;
	s6 =	simm.s32 $0x108;
	_ =	swait.ge @!p0 [sflag:s8], $0x0  }
0x24: {  	s3 =	sadd.s32 $0x88, s3;
	s6 =	simm.s32 @!p1 $0x1082;
	[sflag:s4] =	ssyncset.s32 $0xFFFFF086  }
0x25: {  	[simem:s6], [sflag:s4] =	dma.local [hbm:s3], $0xF7A  }
0x26: {  	[smem:$0x3F9B] =	sst s1;
	(tag) =	ssettag s2;
	_ =	strace s9  }
0x27: {  	s1 =	sld [smem:$0x3FAB]  }
0x28: {  	s2 =	sld [smem:$0x3FAC]  }
0x29: {  	s4 =	sld [smem:$0x3FAE]  }
0x2a: {  	p0 =	seq.s32 s5, $0x0;
	s5 =	sld [smem:$0x3FAF]  }
0x2b: {  	s6 =	sld [smem:$0x3FB0]  }
0x2c: {  	s7 =	sld [smem:$0x3FB1]  }
0x2d: {  	s3 =	simm.s32 $0x108;
	s8 =	sld [smem:$0x3FB2]  }
0x2e: {  	s3 =	simm.s32 @!p0 $0x1082;
	s9 =	sld [smem:$0x3FB3]  }
0x2f: {  	lr =	sadd.s32 s0, s3;
	s0 =	sld [smem:$0x3FAA]  }
0x30: {  	s3 =	sld [smem:$0x3FAD]  }
0x31: {  	[smem:$0x3FB6] =	sst s10  }
0x32: {  	s10 =	sld [smem:$0x3FB4];
	_ =	sdelay $0x3  }
0x33: {  	p0 =	seq.s32 s10, $0x1;
	s10 =	sld [smem:$0x3FB6];
	_ =	sdelay $0x3  }
0x34: {  	[smem:$0x3FB6] =	sst s10  }
0x35: {  	s10 =	sld [smem:$0x3FB5];
	_ =	sdelay $0x3  }
0x36: {  	p1 =	seq.s32 s10, $0x1;
	s10 =	sld [smem:$0x3FB6];
	_ =	sdelay $0x3  }
0x37: {  	[smem:$0x3FB6] =	sst s10  }
0x38: {  	s10 =	sld [smem:$0x3FB7]  }
0x39: {  	_ = 	snop;
	(pc) =	sbr.ind lr, $3  }
0x3a: {  	_ = 	snop  }
0x3b: {  	_ = 	snop  }
0x3c: {  	p2 =	seq.s32 s10, $0x1;
	s10 =	sld [smem:$0x3FB6]  }
0x3d: {  	_ =	shalt  }
0x3e: {  	_ =	shalt  }
0x3f: {  	_ =	shalt  }
0x40: {  	_ =	shalt  }
0x41: {  	_ =	shalt  }
0x42: {  	_ =	shalt  }
0x43: {  	_ =	shalt  }
0x44: {  	_ =	shalt  }
0x45: {  	_ =	shalt  }
0x46: {  	_ =	shalt  }
0x47: {  	_ =	shalt  }
0x48: {  	_ =	shalt  }
0x49: {  	_ =	shalt  }
0x4a: {  	_ =	shalt  }
0x4b: {  	_ =	shalt  }
0x4c: {  	_ =	shalt  }
0x4d: {  	_ =	shalt  }
0x4e: {  	_ =	shalt  }
0x4f: {  	_ =	shalt  }
0x50: {  	_ =	shalt  }
0x51: {  	_ =	shalt  }
0x52: {  	_ =	shalt  }
0x53: {  	_ =	shalt  }
0x54: {  	_ =	shalt  }
0x55: {  	_ =	shalt  }
0x56: {  	_ =	shalt  }
0x57: {  	_ =	shalt  }
0x58: {  	_ =	shalt  }
0x59: {  	_ =	shalt  }
0x5a: {  	_ =	shalt  }
0x5b: {  	_ =	shalt  }
0x5c: {  	_ =	shalt  }
0x5d: {  	_ =	shalt  }
0x5e: {  	_ =	shalt  }
0x5f: {  	_ =	shalt  }
0x60: {  	_ =	shalt  }
0x61: {  	_ =	shalt  }
0x62: {  	_ =	shalt  }
0x63: {  	_ =	shalt  }
0x64: {  	_ =	shalt  }
0x65: {  	_ =	shalt  }
0x66: {  	_ =	shalt  }
0x67: {  	_ =	shalt  }
0x68: {  	_ =	shalt  }
0x69: {  	_ =	shalt  }
0x6a: {  	_ =	shalt  }
0x6b: {  	_ =	shalt  }
0x6c: {  	_ =	shalt  }
0x6d: {  	_ =	shalt  }
0x6e: {  	_ =	shalt  }
0x6f: {  	_ =	shalt  }
0x70: {  	_ =	shalt  }
0x71: {  	_ =	shalt  }
0x72: {  	_ =	shalt  }
0x73: {  	_ =	shalt  }
0x74: {  	_ =	shalt  }
0x75: {  	_ =	shalt  }
0x76: {  	_ =	shalt  }
0x77: {  	_ =	shalt  }
0x78: {  	_ =	shalt  }
0x79: {  	_ =	shalt  }
0x7a: {  	_ =	shalt  }
0x7b: {  	_ =	shalt  }
0x7c: {  	_ =	shalt  }
0x7d: {  	_ =	shalt  }
0x7e: {  	_ =	shalt  }
0x7f: {  	_ =	shalt  }
0x80: {  	_ =	shalt  }
0x81: {  	_ =	shalt  }
0x82: {  	_ =	shalt  }
0x83: {  	_ =	shalt  }
0x84: {  	_ =	shalt  }
0x85: {  	_ =	shalt  }
0x86: {  	_ =	shalt  }
0x87: {  	_ =	shalt  }
.Lfunc_end0:
.L_simem_size_0:
called_computation.1_lowered:
.L_overlay_start_0:
0x88: {  	s2 =	sld [smem:$0x3FD9]  }
0x89: {  	s3 =	sld [smem:$0x3FFE];
	_ =	sdelay $0x1  }
0x8a: {  	s1 =	srdreg.scid  }
0x8b: {  	s0 =	sand.u32 $0x1, s1  }
0x8c: {  	s17 =	sshll.u32 s0, $0xA;
	s2 =	sadd.s32 s3, s2  }
0x8d: {  	s2 =	sadd.s32 s2, s17  }
0x8e: {  	[smem:$0x3FC2] =	sst s2  }
0x8f: {  	_ = 	snop  }
0x90: {  	s2 =	sld [smem:$0x3FD0];
	(tm) =	ssettm $0x1  }
0x91: {  	s18 =	sld [smem:$0x3FFB];
	_ =	sdelay $0x3  }
0x92: {  	_ =	strace s18  }
0x93: {  	s3 =	sld [smem:$0x3FFC];
	_ =	sdelay $0x3  }
0x94: {  	_ =	strace s3  }
0x95: {  	s3 =	sld [smem:$0x3FFD];
	_ =	sdelay $0x3  }
0x96: {  	_ =	strace s3  }
0x97: {  	_ =	strace $0x8FFFFFFF  }
0x98: {  	s19 =	sld [smem:$0x3FDB];
	_ =	sdelay $0x1  }
0x99: {  	s4 =	simm.s32 $_scs_section_size  }
0x9a: {  	s5 =	simm.s32 $_size__tile_overlayer_lowered;
	s6 =	simm.s32 $_tile_overlayer_lowered  }
0x9b: {  	s22 =	simm.s32 $0x1BFF;
	s21 =	sshll.u32 s6, $0x1;
	s3 =	sadd.s32 s4, s19  }
0x9c: {  	s7 =	simm.s32 $0x0;
	s20 =	sshll.u32 s5, $0x1;
	s5 =	sadd.s32 s21, s3  }
0x9d: {  	[timem:s7], [sflag:s22] =	dma.local [hbm:s5], s20  }
0x9e: {  	_ =	swait.ge [sflag:s22], s20  }
0x9f: {  	s4 =	ssub.s32 $0x0, s20;
	[sflag:s22] =	ssyncset.done $0x0  }
0xa0: {  	[sflag:s22] =	ssyncadd.s32 s4;
	_ =	sdelay $0x1  }
0xa1: {  	s23 =	simm.s32 $0x1B8B  }
0xa2: {  	_ =	swait.ge [sflag:s23], $0x1  }
0xa3: {  	[sflag:s23] =	ssyncset.done $0x0  }
0xa4: {  	s25 =	simm.s32 $0x1B8E;
	s24 =	sld [smem:$0x3FFE];
	[sflag:s23] =	ssyncadd.s32 $0xFFFFFFFF  }
0xa5: {  	s26 =	simm.s32 $execute0_lowered;
	[smem:$0x3FD2] =	sst s25  }
0xa6: {  	s5 =	sshll.u32 s26, $0x1;
	_ =	strace $0x80000049;
	[dreg:$0x1] =	wrdreg $0xFFFFFFFF  }
0xa7: {  	s28 =	simm.s32 $_size_execute0_lowered;
	s3 =	sadd.s32 s3, s5;
	[dreg:$0x0] =	wrdreg $0x0  }
0xa8: {  	s5 =	sshll.u32 s28, $0x1;
	[dreg:$0x2] =	wrdreg s3  }
0xa9: {  	[dreg:$0x3] =	wrdreg s5  }
0xaa: {  	[dreg:$0x4] =	wrdreg $0xC0  }
0xab: {  	_ =	task [dreg:s7], $0x5FFFF  }
0xac: {  	[dreg:$0x1] =	wrdreg $0xFFFFFFFF  }
0xad: {  	[dreg:$0x0] =	wrdreg $0x60  }
0xae: {  	[dreg:$0x2] =	wrdreg s24  }
0xaf: {  	[dreg:$0x3] =	wrdreg s2  }
0xb0: {  	[dreg:$0x4] =	wrdreg $0x9  }
0xb1: {  	_ =	task.clear_ibuf [dreg:s7], $0x5FFFF;
	_ =	strace $0x90000049  }
0xb2: {  	s29 =	simm.s32 $0x9;
	_ =	strace $0x8000004B  }
0xb3: {  	_ =	swait.ge [sflag:s29], $0x1  }
0xb4: {  	[sflag:s29] =	ssyncadd.s32 $0xFFFFFFFF  }
0xb5: {  	_ =	strace $0x9000004B  }
0xb6: {  	_ =	sfence  }
0xb7: {  	s30 =	sld [smem:$0x0];
	_ =	sdelay $0x2  }
0xb8: {  	s31 =	sshll.u32 s1, $0xD;
	s1 =	sshrl.u32 s1, $0x2  }
0xb9: {  	s3 =	sand.u32 $0x4000, s31;
	s1 =	sadd.s32 s1, s30  }
0xba: {  	s0 =	sor.u32 s3, s0;
	s1 =	sshll.u32 s1, $0x11  }
0xbb: {  	s0 =	sor.u32 s1, s0  }
0xbc: {  	s0 =	sadd.s32 $0x8F2B, s0  }
0xbd: {  	[sflag:s0] =	ssyncadd.remote.s32 $0x1  }
0xbe: {  	_ =	sfence.sel $0xFFFF  }
0xbf: {  	[dreg:$0x0] =	wrdreg $0xFFFFFFFF;
	(pc) =	sbr.abs _section_cstart, $3  }
0xc0: {  	[dreg:$0x1] =	wrdreg $0xFFFFFFFF  }
0xc1: {  	_ =	task.clear_ibuf [dreg:s7], $0x2FFFF;
	_ =	strace $0x9FFFFFFF  }
0xc2: {  	(tm) =	ssettm $0x7FFFFFFF  }
0xc3: {  	_ =	shalt  }
tec
execute0_lowered:
.L_overlay_start_1:
0x0: {  	(tag) =	ssettag $0x1  }
0x1: {  	s1 =	srdreg.scid;
	s3 =	rddreg [dreg:$0x0]  }
0x2: {  	s0 =	stileid.u32;
	s12 =	rddreg [dreg:$0x1]  }
0x3: {  	s2 =	simm.s32 $0x0;
	s16 =	simm.s32 $0x1;
	s17 =	simm.s32 $0x80  }
0x4: {  	s18 =	simm.s32 $0x6400;
	s19 =	simm.s32 $0xA400;
	s20 =	simm.s32 $0x100  }
0x5: {  	s21 =	simm.s32 $0xE400;
	s22 =	simm.s32 $0x180;
	s9 =	smul.u32 $0x640000, s0  }
0x6: {  	s23 =	simm.s32 $0x12400;
	s6 =	sand.u32 $0x1, s1;
	s13 =	smul.u32 $0xC800, s0  }
0x7: {  	s24 =	simm.s32 $0x2;
	s28 =	sshll.u32 s0, $0x1;
	s10 =	smul.u32 $0x320000, s6  }
0x8: {  	s25 =	simm.s32 $0x3;
	s4 =	sor.u32 s6, s28;
	s15 =	smul.u32 $0x6400, s6  }
0x9: {  	[smem:$0x7FF] =	sst s2;
	s29 =	ssub.s32 $0x2, s6;
	s5 =	smul.u32 $0x6400, s4  }
0xa: {  	_ =	strace $0x8000004A;
	s7 =	smul.u32 $0x320000, s4;
	s30 =	sshrl.u32 s29, $0x1  }
0xb: {  	s11 =	ssub.s32 s29, s30;
	s10 =	sadd.s32 s10, s9;
	s13 =	sadd.s32 s15, s13  }
0xc: {  	s15 =	simm.s32 $0x4B00;
	s5 =	sshrl.u32 s5, $0x3;
	s14 =	sshrl.u32 s7, $0x3  }
0xd: {  	s31 =	sshrl.u32 s10, $0x3;
	s13 =	sshll.u32 s13, $0x4;
	s10 =	smax.u32 s11, $0x1  }
0xe: {  	s8 =	sadd.s32 s5, s3;
	s3 =	sadd.s32 $0xE600, s3;
	s14 =	sadd.s32 s12, s14  }
0xf: {  	s11 =	sadd.s32 s31, s12;
	s12 =	sadd.s32 s13, s12;
	s13 =	simm.s32 $0x1900  }
0x10: {  	s26 =	simm.s32 $0x0;
	s5 =	sadd.s32 $0x195320, s8;
	s6 =	sadd.s32 $0x195640, s8  }
0x11: {  	s4 =	sadd.s32 $0x195000, s8;
	s7 =	sadd.s32 $0x195960, s8;
	s8 =	sadd.s32 $0x62000, s14  }
0x12: {  	s9 =	sadd.s32 $0x63000, s14;
	s12 =	sadd.s32 $0x1000, s12;
	s14 =	simm.s32 $0x3200  }
.LBB2_1:
0x13: {  	[tilespmem:s2], [sflag:$0x1] =	stream.linear.gather [hbm4b:s4+s2], $0x1900, $0x38;
	[tilespmem:$0x16400] =	vst v63  }
0x14: {  	_ = 	snop  }
0x15: {  	[tilespmem:s13], [sflag:$0x1] =	stream.linear.gather [hbm4b:s5+s2], $0x1900, $0x38;
	[tilespmem:$0x16400] =	vst v63  }
0x16: {  	_ = 	snop  }
0x17: {  	[tilespmem:s14], [sflag:$0x1] =	stream.linear.gather [hbm4b:s6+s2], $0x1900, $0x38;
	[tilespmem:$0x16400] =	vst v63  }
0x18: {  	_ = 	snop  }
0x19: {  	[tilespmem:s15], [sflag:$0x1] =	stream.linear.gather [hbm4b:s7+s2], $0x1900, $0x38;
	[tilespmem:$0x16400] =	vst v63  }
0x1a: {  	_ =	swait.ge [sflag:s16], $0x1900  }
0x1b: {  	[sflag:s16] =	ssyncset.done $0x0  }
0x1c: {  	[sflag:s16] =	ssyncadd.s32 $0xFFFFE700  }
0x1d: {  	_ =	swait.ge [sflag:s16], $0x1900  }
0x1e: {  	[sflag:s16] =	ssyncset.done $0x0  }
0x1f: {  	[sflag:s16] =	ssyncadd.s32 $0xFFFFE700  }
0x20: {  	_ =	swait.ge [sflag:s16], $0x1900  }
0x21: {  	[sflag:s16] =	ssyncset.done $0x0  }
0x22: {  	[sflag:s16] =	ssyncadd.s32 $0xFFFFE700  }
0x23: {  	_ =	swait.ge [sflag:s16], $0x1900  }
0x24: {  	[sflag:s16] =	ssyncset.done $0x0  }
0x25: {  	[sflag:s16] =	ssyncadd.s32 $0xFFFFE700  }
0x26: {  	[tilespmem:s18], [sflag:$0x2] =	stream.indirect.gather [hbm4b:s3+s17], $0x80, s2, s17, $0xb8;
	[tilespmem:$0x16400] =	vst v63  }
0x27: {  	_ = 	snop  }
0x28: {  	[tilespmem:s19], [sflag:$0x2] =	stream.indirect.gather [hbm4b:s3+s17], $0x80, s17, s17, $0xb8;
	[tilespmem:$0x16400] =	vst v63  }
0x29: {  	_ = 	snop  }
0x2a: {  	[tilespmem:s21], [sflag:$0x2] =	stream.indirect.gather [hbm4b:s3+s17], $0x80, s20, s17, $0xb8;
	[tilespmem:$0x16400] =	vst v63  }
0x2b: {  	_ = 	snop  }
0x2c: {  	[tilespmem:s23], [sflag:$0x2] =	stream.indirect.gather [hbm4b:s3+s17], $0x80, s22, s17, $0xb8;
	[tilespmem:$0x16400] =	vst v63  }
0x2d: {  	_ =	swait.ge [sflag:s24], $0x4000  }
0x2e: {  	[sflag:s24] =	ssyncset.done $0x0  }
0x2f: {  	[sflag:s24] =	ssyncadd.s32 $0xFFFFC000  }
0x30: {  	_ =	swait.ge [sflag:s24], $0x4000  }
0x31: {  	[sflag:s24] =	ssyncset.done $0x0  }
0x32: {  	[sflag:s24] =	ssyncadd.s32 $0xFFFFC000  }
0x33: {  	[hbm4b:s11+s2] =	stream.linear.scatter [tilespmem:s18], [sflag:$0x3], $0x8000, $0x38;
	[tilespmem:$0x16400] =	vst v63  }
0x34: {  	_ =	swait.ge [sflag:s25], $0x8000  }
0x35: {  	[sflag:s25] =	ssyncset.done $0x0  }
0x36: {  	s28 =	simm.s32 $0x200;
	[sflag:s25] =	ssyncadd.s32 $0xFFFF8000  }
0x37: {  	[tilespmem:s18], [sflag:$0x2] =	stream.indirect.gather [hbm4b:s3+s17], $0x80, s28, s17, $0xb8;
	[tilespmem:$0x16400] =	vst v63  }
0x38: {  	s28 =	simm.s32 $0x280  }
0x39: {  	[tilespmem:s19], [sflag:$0x2] =	stream.indirect.gather [hbm4b:s3+s17], $0x80, s28, s17, $0xb8;
	[tilespmem:$0x16400] =	vst v63  }
0x3a: {  	_ =	swait.ge [sflag:s24], $0x4000  }
0x3b: {  	[sflag:s24] =	ssyncset.done $0x0  }
0x3c: {  	[sflag:s24] =	ssyncadd.s32 $0xFFFFC000  }
0x3d: {  	_ =	swait.ge [sflag:s24], $0x4000  }
0x3e: {  	[sflag:s24] =	ssyncset.done $0x0  }
0x3f: {  	[sflag:s24] =	ssyncadd.s32 $0xFFFFC000  }
0x40: {  	[hbm4b:s12+s2] =	stream.linear.scatter [tilespmem:s21], [sflag:$0x3], $0x8000, $0x38;
	[tilespmem:$0x16400] =	vst v63  }
0x41: {  	_ =	swait.ge [sflag:s25], $0x8000  }
0x42: {  	[sflag:s25] =	ssyncset.done $0x0  }
0x43: {  	s31 =	simm.s32 $0x380;
	s28 =	simm.s32 $0x300;
	[sflag:s25] =	ssyncadd.s32 $0xFFFF8000  }
0x44: {  	[tilespmem:s21], [sflag:$0x2] =	stream.indirect.gather [hbm4b:s3+s17], $0x80, s28, s17, $0xb8;
	[tilespmem:$0x16400] =	vst v63  }
0x45: {  	s29 =	sadd.s32 $0x2000, s11;
	s30 =	sadd.s32 $0x2000, s12;
	s28 =	simm.s32 $0x800  }
.LBB2_2:
0x46: {  	[tilespmem:s23], [sflag:$0x2] =	stream.indirect.gather [hbm4b:s3+s17], $0x80, s31, s17, $0xb8;
	[tilespmem:$0x16400] =	vst v63  }
0x47: {  	s31 =	smov.u32 s28  }
0x48: {  	p0 =	sne.s32 s28, $0x18000;
	s28 =	sadd.s32 $0x800, s28;
	_ =	swait.ge [sflag:s24], $0x4000  }
0x49: {  	[sflag:s24] =	ssyncset.done $0x0  }
0x4a: {  	[sflag:s24] =	ssyncadd.s32 $0xFFFFC000  }
0x4b: {  	_ =	swait.ge [sflag:s24], $0x4000  }
0x4c: {  	[sflag:s24] =	ssyncset.done $0x0  }
0x4d: {  	[sflag:s24] =	ssyncadd.s32 $0xFFFFC000  }
0x4e: {  	[hbm4b:s29+s2] =	stream.linear.scatter [tilespmem:s18], [sflag:$0x3], $0x8000, $0x38;
	[tilespmem:$0x16400] =	vst v63  }
0x4f: {  	_ =	swait.ge [sflag:s25], $0x8000  }
0x50: {  	s31 =	sshra.s32 s31, $0x2;
	[sflag:s25] =	ssyncset.done $0x0  }
0x51: {  	s1 =	sadd.s32 $0x200, s31;
	[sflag:s25] =	ssyncadd.s32 $0xFFFF8000  }
0x52: {  	[tilespmem:s18], [sflag:$0x2] =	stream.indirect.gather [hbm4b:s3+s17], $0x80, s1, s17, $0xb8;
	[tilespmem:$0x16400] =	vst v63  }
0x53: {  	s1 =	sadd.s32 $0x280, s31  }
0x54: {  	[tilespmem:s19], [sflag:$0x2] =	stream.indirect.gather [hbm4b:s3+s17], $0x80, s1, s17, $0xb8;
	[tilespmem:$0x16400] =	vst v63  }
0x55: {  	_ =	swait.ge [sflag:s24], $0x4000  }
0x56: {  	[sflag:s24] =	ssyncset.done $0x0  }
0x57: {  	[sflag:s24] =	ssyncadd.s32 $0xFFFFC000  }
0x58: {  	_ =	swait.ge [sflag:s24], $0x4000  }
0x59: {  	[sflag:s24] =	ssyncset.done $0x0  }
0x5a: {  	[sflag:s24] =	ssyncadd.s32 $0xFFFFC000  }
0x5b: {  	[hbm4b:s30+s2] =	stream.linear.scatter [tilespmem:s21], [sflag:$0x3], $0x8000, $0x38;
	[tilespmem:$0x16400] =	vst v63  }
.Ltmp0:
0x5c: {  	_ =	swait.ge [sflag:s25], $0x8000;
	(pc) =	sbr.rel @p0 .LBB2_2-.Ltmp0, $4  }
0x5d: {  	[sflag:s25] =	ssyncset.done $0x0  }
0x5e: {  	s1 =	sadd.s32 $0x300, s31;
	[sflag:s25] =	ssyncadd.s32 $0xFFFF8000  }
0x5f: {  	[tilespmem:s21], [sflag:$0x2] =	stream.indirect.gather [hbm4b:s3+s17], $0x80, s1, s17, $0xb8;
	[tilespmem:$0x16400] =	vst v63  }
0x60: {  	s29 =	sadd.s32 $0x2000, s29;
	s31 =	sadd.s32 $0x380, s31;
	s30 =	sadd.s32 $0x2000, s30  }
0x61: {  	[tilespmem:s23], [sflag:$0x2] =	stream.indirect.gather [hbm4b:s3+s17], $0x80, s31, s17, $0xb8;
	[tilespmem:$0x16400] =	vst v63  }
0x62: {  	_ =	swait.ge [sflag:s24], $0x4000  }
0x63: {  	[sflag:s24] =	ssyncset.done $0x0  }
0x64: {  	[sflag:s24] =	ssyncadd.s32 $0xFFFFC000  }
0x65: {  	_ =	swait.ge [sflag:s24], $0x4000  }
0x66: {  	[sflag:s24] =	ssyncset.done $0x0  }
0x67: {  	[sflag:s24] =	ssyncadd.s32 $0xFFFFC000  }
0x68: {  	[hbm4b:s8+s2] =	stream.linear.scatter [tilespmem:s18], [sflag:$0x3], $0x8000, $0x38;
	[tilespmem:$0x16400] =	vst v63  }
0x69: {  	_ =	swait.ge [sflag:s25], $0x8000  }
0x6a: {  	[sflag:s25] =	ssyncset.done $0x0  }
0x6b: {  	[sflag:s25] =	ssyncadd.s32 $0xFFFF8000  }
0x6c: {  	_ =	swait.ge [sflag:s24], $0x4000  }
0x6d: {  	[sflag:s24] =	ssyncset.done $0x0  }
0x6e: {  	[sflag:s24] =	ssyncadd.s32 $0xFFFFC000  }
0x6f: {  	s26 =	sadd.s32 $0x1, s26;
	_ =	swait.ge [sflag:s24], $0x4000  }
0x70: {  	p0 =	sne.s32 s26, s10;
	[sflag:s24] =	ssyncset.done $0x0  }
.Ltmp1:
0x71: {  	[sflag:s24] =	ssyncadd.s32 $0xFFFFC000;
	(pc) =	sbr.rel @p0 .LBB2_1-.Ltmp1, $4  }
0x72: {  	[hbm4b:s9+s2] =	stream.linear.scatter [tilespmem:s21], [sflag:$0x3], $0x8000, $0x38;
	[tilespmem:$0x16400] =	vst v63  }
0x73: {  	_ =	swait.ge [sflag:s25], $0x8000  }
0x74: {  	[sflag:s25] =	ssyncset.done $0x0  }
0x75: {  	[sflag:s25] =	ssyncadd.s32 $0xFFFF8000  }
0x76: {  	_ =	sfence.sel $0x180000  }
0x77: {  	[bflag:$0x0] =	sbarrier.arrive $0xFFFF  }
0x78: {  	_ =	strace $0x9000004A  }
0x79: {  	[bflag:$0x2] =	sbarrier.arrive $0xFFFF  }
0x7a: {  	p0 =	sne.s32 s0, $0x0;
	s0 =	rddreg [dreg:$0x2]  }
0x7b: {  	s0 =	sadd.s32 @!p0 $0x100000, s0  }
0x7c: {  	[sflag:s0] =	ssyncadd.tile.s32 @!p0 $0x1;
	_ =	shalt  }
.Lfunc_end2:
_tile_overlayer_lowered:
.L_overlay_start_2:
0x7d: {  	(tag) =	ssettag $0x2  }
0x7e: {  	s0 =	rddreg [dreg:$0x0];
	s2 =	stileid.u32  }
0x7f: {  	s1 =	rddreg [dreg:$0x1];
	p0 =	sne.s32 s2, $0x0  }
0x80: {  	s3 =	rddreg [dreg:$0x2];
	[bflag:$0x3] =	sbarrier.arrive $0xFFFF;
	s2 =	simm.s32 @!p0 $0x1C04  }
0x81: {  	[timem:s3], [sflag:s2] =	dma.local @!p0 [hbm:s0], s1  }
0x82: {  	s0 =	simm.s32 @!p0 $0x4  }
0x83: {  	_ =	swait.ge @!p0 [sflag:s0], s1  }
0x84: {  	s1 =	ssub.s32 @!p0 $0x0, s1;
	[sflag:s0] =	ssyncset.done @!p0 $0x0  }
0x85: {  	[sflag:s0] =	ssyncadd.s32 @!p0 s1  }
0x86: {  	[bflag:$0x3] =	sbarrier.arrive $0xFFFF  }
0x87: {  	_ =	shalt  }

</sc_bundles>
